<compile_context>
chip_gen: v7x
topology: tpu7x:2x2x1
jax: 0.10.2.dev20260603
libtpu: 0.0.44.dev20260713+nightly
codegen_flags: <defaults>
</compile_context>

<pallas_src>
import functools

import jax
import jax.numpy as jnp
from jax import lax
from jax.experimental import pallas as pl
from jax.experimental.pallas import tpu as pltpu
from jax.experimental.pallas import tpu_sc as plsc

B, N, D = 4, 65536, 64
NC = 8192
NPTS = B * N
NSEG = B * NC

SC_CORES = 2
SC_SUBCORES = 16

SCAT_PTS = NPTS // SC_SUBCORES
GATH_PTS = NPTS // (SC_CORES * SC_SUBCORES)
ZERO_ROWS = NSEG // SC_SUBCORES
CHUNK = 128
SCAT_CHUNKS = SCAT_PTS // CHUNK
GATH_CHUNKS = GATH_PTS // CHUNK
RW = 8


def _sc_cog(rec, seg2d, zeros_tab, interpret=False):
    mesh = plsc.VectorSubcoreMesh(core_axis_name="c", subcore_axis_name="s")

    @functools.partial(
        pl.kernel,
        out_type=jax.ShapeDtypeStruct((NPTS, RW), jnp.float32),
        mesh=mesh,
        scratch_types=[
            pltpu.VMEM((SCAT_CHUNKS, CHUNK), jnp.int32),
            pltpu.VMEM((GATH_PTS, RW), jnp.float32),
            pltpu.VMEM_SHARED((NSEG, RW), jnp.float32),
        ],
        compiler_params=pltpu.CompilerParams(use_tc_tiling_on_sc=False),
        interpret=interpret,
    )
    def k(rec_hbm, seg_hbm, z_hbm, cogpt_hbm, idx_v, rec_v, table):
        c = lax.axis_index("c")
        s = lax.axis_index("s")
        pltpu.sync_copy(z_hbm.at[pl.ds(s * ZERO_ROWS, ZERO_ROWS), :],
                        table.at[pl.ds(s * ZERO_ROWS, ZERO_ROWS), :])
        pltpu.sync_copy(seg_hbm.at[pl.ds(s * SCAT_CHUNKS, SCAT_CHUNKS), :],
                        idx_v)
        plsc.subcore_barrier()

        for p in range(SCAT_PTS // GATH_PTS):
            pltpu.sync_copy(
                rec_hbm.at[pl.ds(s * SCAT_PTS + p * GATH_PTS, GATH_PTS), :],
                rec_v)

            def scat(j, carry, _p=p):
                pltpu.sync_copy(rec_v.at[pl.ds(j * CHUNK, CHUNK), :],
                                table.at[idx_v.at[_p * GATH_CHUNKS + j]],
                                add=True)
                return carry
            lax.fori_loop(0, GATH_CHUNKS, scat, 0)
        plsc.subcore_barrier()

        gbase = c * (NPTS // SC_CORES) + s * GATH_PTS
        grow = c * (NPTS // SC_CORES // CHUNK) + s * GATH_CHUNKS
        pltpu.sync_copy(seg_hbm.at[pl.ds(grow, GATH_CHUNKS), :],
                        idx_v.at[pl.ds(0, GATH_CHUNKS), :])

        def gath(j, carry):
            pltpu.sync_copy(table.at[idx_v.at[j]],
                            rec_v.at[pl.ds(j * CHUNK, CHUNK), :])
            return carry
        lax.fori_loop(0, GATH_CHUNKS, gath, 0)
        pltpu.sync_copy(rec_v.at[pl.ds(0, GATH_PTS), :],
                        cogpt_hbm.at[pl.ds(gbase, GATH_PTS), :])

    return k(rec, seg2d, zeros_tab)


def _tc_mlp(rec, cogpt, feat2d, W1a8, b1a, W2a, b2a, W1b8, b1b, W2b, b2b,
            interpret=False):
    P = 4096
    grid = (NPTS // P,)

    def body(rec_ref, cog_ref, feat_ref, w1a, b1a_r, w2a, b2a_r,
             w1b, b1b_r, w2b, b2b_r, o1, o2):
        rec_b = rec_ref[...]
        cp = cog_ref[...]
        inv = 1.0 / jnp.maximum(cp[:, 3:4], 1.0)
        lp8 = rec_b - cp * inv
        nrm = jnp.sqrt(jnp.sum(lp8 * lp8, axis=1, keepdims=True))
        col = lax.broadcasted_iota(jnp.int32, (1, RW), 1)
        x1 = lp8 + nrm * (col == 3).astype(jnp.float32)
        h1 = jnp.maximum(
            jnp.dot(x1, w1a[...], preferred_element_type=jnp.float32)
            + b1a_r[...], 0.0)
        f = feat_ref[...]
        o1[...] = f + jnp.dot(h1, w2a[...],
                              preferred_element_type=jnp.float32) + b2a_r[...]
        h2 = jnp.maximum(
            jnp.dot(lp8, w1b[...], preferred_element_type=jnp.float32)
            + b1b_r[...], 0.0)
        o2[...] = f + jnp.dot(h2, w2b[...],
                              preferred_element_type=jnp.float32) + b2b_r[...]

    def wspec(shape):
        return pl.BlockSpec(shape, lambda i: (0,) * len(shape))

    return pl.pallas_call(
        body,
        grid=grid,
        in_specs=[
            pl.BlockSpec((P, RW), lambda i: (i, 0)),
            pl.BlockSpec((P, RW), lambda i: (i, 0)),
            pl.BlockSpec((P, D), lambda i: (i, 0)),
            wspec((RW, D)), wspec((1, D)), wspec((D, D)), wspec((1, D)),
            wspec((RW, D)), wspec((1, D)), wspec((D, D)), wspec((1, D)),
        ],
        out_specs=[
            pl.BlockSpec((P, D), lambda i: (i, 0)),
            pl.BlockSpec((P, D), lambda i: (i, 0)),
        ],
        out_shape=[
            jax.ShapeDtypeStruct((NPTS, D), jnp.float32),
            jax.ShapeDtypeStruct((NPTS, D), jnp.float32),
        ],
        interpret=interpret,
    )(rec, cogpt, feat2d, W1a8, b1a, W2a, b2a, W1b8, b1b, W2b, b2b)


def kernel(pos, feat, cluster_ids, W1a, b1a, W2a, b2a, W1b, b1b, W2b, b2b):
    posf = pos.reshape(NPTS, 3)
    rec = jnp.concatenate(
        [posf, jnp.ones((NPTS, 1), jnp.float32),
         jnp.zeros((NPTS, RW - 4), jnp.float32)], axis=1)
    seg = (cluster_ids
           + (jnp.arange(B, dtype=jnp.int32) * NC)[:, None]).reshape(NPTS)
    zeros_tab = jnp.zeros((NSEG, RW), jnp.float32)
    seg2d = seg.reshape(NPTS // CHUNK, CHUNK)
    cogpt = _sc_cog(rec, seg2d, zeros_tab)
    feat2d = feat.reshape(NPTS, D)
    W1a8 = jnp.concatenate([W1a, jnp.zeros((RW - 4, D), jnp.float32)], axis=0)
    W1b8 = jnp.concatenate([W1b[3:6], jnp.zeros((RW - 3, D), jnp.float32)],
                           axis=0)
    o1, o2 = _tc_mlp(rec, cogpt, feat2d,
                     W1a8, b1a.reshape(1, D), W2a, b2a.reshape(1, D),
                     W1b8, b1b.reshape(1, D), W2b, b2b.reshape(1, D))
    return o1.reshape(B, N, D), o2.reshape(B, N, D)

# --- scband reference (transcript-rebuilt; emitter-appended) ---
"""Pipeline reference for scband-lpeblock-74586402062456 (READ-ONLY COPY).

The authoritative reference and input builder live on the scoring server;
editing this copy changes nothing except your own understanding.
"""

import jax, jax.numpy as jnp
import numpy as np

B, N, D_EMBED = 4, 65536, 64
D_POS = 3
NC = 8192  # N // kmeans_ratio clusters per batch element


def setup_inputs(seed: int = 0) -> dict:
    key = jax.random.key(seed)
    ks = jax.random.split(key, 11)
    pos = jax.random.normal(ks[0], (B, N, D_POS), dtype=jnp.float32)
    feat = jax.random.normal(ks[1], (B, N, D_EMBED), dtype=jnp.float32)
    # Faithful tensorized form of kmeans_idx_dict_batchlist: cluster id per point.
    cluster_ids = jax.random.randint(ks[2], (B, N), 0, NC, dtype=jnp.int32)
    # mlp_1a: Linear(4 -> D), ReLU, Linear(D -> D)
    W1a = jax.random.uniform(ks[3], (4, D_EMBED), minval=-0.5, maxval=0.5, dtype=jnp.float32)
    b1a = jax.random.uniform(ks[4], (D_EMBED,), minval=-0.5, maxval=0.5, dtype=jnp.float32)
    W2a = jax.random.uniform(ks[5], (D_EMBED, D_EMBED), minval=-0.125, maxval=0.125, dtype=jnp.float32)
    b2a = jax.random.uniform(ks[6], (D_EMBED,), minval=-0.125, maxval=0.125, dtype=jnp.float32)
    # mlp_2a: Linear(6 -> D), ReLU, Linear(D -> D)
    W1b = jax.random.uniform(ks[7], (6, D_EMBED), minval=-0.4, maxval=0.4, dtype=jnp.float32)
    b1b = jax.random.uniform(ks[8], (D_EMBED,), minval=-0.4, maxval=0.4, dtype=jnp.float32)
    W2b = jax.random.uniform(ks[9], (D_EMBED, D_EMBED), minval=-0.125, maxval=0.125, dtype=jnp.float32)
    b2b = jax.random.uniform(ks[10], (D_EMBED,), minval=-0.125, maxval=0.125, dtype=jnp.float32)
    return {"pos": pos, "feat": feat, "cluster_ids": cluster_ids,
            "W1a": W1a, "b1a": b1a, "W2a": W2a, "b2a": b2a,
            "W1b": W1b, "b1b": b1b, "W2b": W2b, "b2b": b2b}


def reference(pos, feat, cluster_ids, W1a, b1a, W2a, b2a, W1b, b1b, W2b, b2b):
    Bv, Nv, _ = pos.shape
    flat_pos = pos.reshape(Bv * Nv, D_POS)
    flat_feat = feat.reshape(Bv * Nv, D_EMBED)
    # offset cluster ids per batch element so segments are globally unique
    seg = (cluster_ids + jnp.arange(Bv, dtype=cluster_ids.dtype)[:, None] * NC).reshape(Bv * Nv)
    num_seg = Bv * NC
    ones = jnp.ones((Bv * Nv,), dtype=flat_pos.dtype)
    counts = jax.ops.segment_sum(ones, seg, num_segments=num_seg)
    counts = jnp.maximum(counts, 1.0)
    # cog = per-cluster mean of positions (torch.mean(p, dim=0))
    cog = jax.ops.segment_sum(flat_pos, seg, num_segments=num_seg) / counts[:, None]
    local_p = flat_pos - cog[seg]
    n = jnp.linalg.norm(local_p, axis=1, keepdims=True)
    # mlp_1a on cat(local_p, n)
    x1 = jnp.concatenate([local_p, n], axis=1)
    h1 = jnp.maximum(x1 @ W1a + b1a, 0.0)
    embed_pos = h1 @ W2a + b2a
    h_pos = flat_feat + embed_pos
    # avg = per-cluster mean of local_p, expanded back to points
    avg = jax.ops.segment_sum(local_p, seg, num_segments=num_seg) / counts[:, None]
    x2 = jnp.concatenate([avg[seg], local_p], axis=1)
    h2 = jnp.maximum(x2 @ W1b + b1b, 0.0)
    embed_geo = h2 @ W2b + b2b
    h_geo = flat_feat + embed_geo
    return (h_pos.reshape(Bv, Nv, D_EMBED), h_geo.reshape(Bv, Nv, D_EMBED))

if __name__ == "__main__":
    import jax
    _d = setup_inputs()
    print(jax.jit(kernel)(*tuple(_d.values())))

</pallas_src>

<mosaic_0001>
#map = affine_map<(d0, d1) -> (0, 0)>
module attributes {stable_mosaic.version = 14 : i64} {
  func.func @k(%arg0: i32, %arg1: i32, %arg2: memref<262144x8xf32, #tpu.memory_space<hbm>>, %arg3: memref<2048x128xi32, #tpu.memory_space<hbm>>, %arg4: memref<32768x8xf32, #tpu.memory_space<hbm>>, %arg5: memref<262144x8xf32, #tpu.memory_space<hbm>>, %arg6: memref<128x128xi32, #tpu.memory_space<vmem>>, %arg7: memref<8192x8xf32, #tpu.memory_space<vmem>>, %arg8: memref<32768x8xf32, #tpu.memory_space<vmem_shared>>) attributes {dimension_semantics = [#tpu.dimension_semantics<core_parallel>, #tpu.dimension_semantics<subcore_parallel>], iteration_bounds = array<i64: 2, 16>, scalar_prefetch = 0 : i64, scratch_operands = 3 : i64, tpu.core_type = #tpu.core_type<sc_vector_subcore>, window_params = [{transform_indices = #map}, {transform_indices = #map}, {transform_indices = #map}, {transform_indices = #map}]} {
    %mul3A = arith.constant 2048 : i32
    %mul3A_0 = arith.muli %arg1, %mul3A : i32
    %mul3A_1 = arith.constant 2048 : i32
    %mul3A_2 = arith.muli %arg1, %mul3A_1 : i32
    "tpu.region"() ({
      %run_scoped3A = tpu.sem_alloc : memref<!tpu.dma_semaphore, #tpu.memory_space<semaphore_mem>>
      %dma_start3A = arith.constant 0 : i32
      %dma_start3A_40 = tpu.memref_slice %arg8[%mul3A_2, %dma_start3A] : memref<32768x8xf32, #tpu.memory_space<vmem_shared>> -> memref<2048x8xf32, #tpu.memory_space<vmem_shared>>
      %dma_start3A_41 = arith.constant 0 : i32
      %dma_start3A_42 = tpu.memref_slice %arg4[%mul3A_0, %dma_start3A_41] : memref<32768x8xf32, #tpu.memory_space<hbm>> -> memref<2048x8xf32, #tpu.memory_space<hbm>>
      tpu.enqueue_dma source(%dma_start3A_42 : memref<2048x8xf32, #tpu.memory_space<hbm>>) target(%dma_start3A_40 : memref<2048x8xf32, #tpu.memory_space<vmem_shared>>) target_semaphore(%run_scoped3A : memref<!tpu.dma_semaphore, #tpu.memory_space<semaphore_mem>>)
      %dma_wait3A = arith.constant 0 : i32
      %dma_wait3A_43 = tpu.memref_slice %arg8[%mul3A_2, %dma_wait3A] : memref<32768x8xf32, #tpu.memory_space<vmem_shared>> -> memref<2048x8xf32, #tpu.memory_space<vmem_shared>>
      %dma_wait3A_44 = arith.constant 0 : i32
      %dma_wait3A_45 = tpu.memref_slice %arg4[%mul3A_0, %dma_wait3A_44] : memref<32768x8xf32, #tpu.memory_space<hbm>> -> memref<2048x8xf32, #tpu.memory_space<hbm>>
      tpu.wait_dma2 semaphore(%run_scoped3A : memref<!tpu.dma_semaphore, #tpu.memory_space<semaphore_mem>>) src(%dma_wait3A_45 : memref<2048x8xf32, #tpu.memory_space<hbm>>) dst(%dma_wait3A_43 : memref<2048x8xf32, #tpu.memory_space<vmem_shared>>)
      tpu.yield
    }) : () -> ()
    %mul3A_3 = arith.constant 128 : i32
    %mul3A_4 = arith.muli %arg1, %mul3A_3 : i32
    "tpu.region"() ({
      %run_scoped3A = tpu.sem_alloc : memref<!tpu.dma_semaphore, #tpu.memory_space<semaphore_mem>>
      %dma_start3A = arith.constant 0 : i32
      %dma_start3A_40 = tpu.memref_slice %arg3[%mul3A_4, %dma_start3A] : memref<2048x128xi32, #tpu.memory_space<hbm>> -> memref<128x128xi32, #tpu.memory_space<hbm>>
      %dma_start3A_41 = arith.constant 0 : i32
      %dma_start3A_42 = tpu.memref_slice %arg3[%mul3A_4, %dma_start3A_41] : memref<2048x128xi32, #tpu.memory_space<hbm>> -> memref<128x128xi32, #tpu.memory_space<hbm>>
      tpu.enqueue_dma source(%dma_start3A_42 : memref<128x128xi32, #tpu.memory_space<hbm>>) target(%arg6 : memref<128x128xi32, #tpu.memory_space<vmem>>) target_semaphore(%run_scoped3A : memref<!tpu.dma_semaphore, #tpu.memory_space<semaphore_mem>>)
      %dma_wait3A = arith.constant 0 : i32
      %dma_wait3A_43 = tpu.memref_slice %arg3[%mul3A_4, %dma_wait3A] : memref<2048x128xi32, #tpu.memory_space<hbm>> -> memref<128x128xi32, #tpu.memory_space<hbm>>
      %dma_wait3A_44 = arith.constant 0 : i32
      %dma_wait3A_45 = tpu.memref_slice %arg3[%mul3A_4, %dma_wait3A_44] : memref<2048x128xi32, #tpu.memory_space<hbm>> -> memref<128x128xi32, #tpu.memory_space<hbm>>
      tpu.wait_dma2 semaphore(%run_scoped3A : memref<!tpu.dma_semaphore, #tpu.memory_space<semaphore_mem>>) src(%dma_wait3A_45 : memref<128x128xi32, #tpu.memory_space<hbm>>) dst(%arg6 : memref<128x128xi32, #tpu.memory_space<vmem>>)
      tpu.yield
    }) : () -> ()
    %barrier3A = arith.constant 0 : index
    tpu.barrier barrier_id(%barrier3A)
    %mul3A_5 = arith.constant 16384 : i32
    %mul3A_6 = arith.muli %arg1, %mul3A_5 : i32
    %add3A = arith.constant 0 : i32
    %add3A_7 = arith.addi %mul3A_6, %add3A : i32
    "tpu.region"() ({
      %run_scoped3A = tpu.sem_alloc : memref<!tpu.dma_semaphore, #tpu.memory_space<semaphore_mem>>
      %dma_start3A = arith.constant 0 : i32
      %dma_start3A_40 = tpu.memref_slice %arg2[%add3A_7, %dma_start3A] : memref<262144x8xf32, #tpu.memory_space<hbm>> -> memref<8192x8xf32, #tpu.memory_space<hbm>>
      %dma_start3A_41 = arith.constant 0 : i32
      %dma_start3A_42 = tpu.memref_slice %arg2[%add3A_7, %dma_start3A_41] : memref<262144x8xf32, #tpu.memory_space<hbm>> -> memref<8192x8xf32, #tpu.memory_space<hbm>>
      tpu.enqueue_dma source(%dma_start3A_42 : memref<8192x8xf32, #tpu.memory_space<hbm>>) target(%arg7 : memref<8192x8xf32, #tpu.memory_space<vmem>>) target_semaphore(%run_scoped3A : memref<!tpu.dma_semaphore, #tpu.memory_space<semaphore_mem>>)
      %dma_wait3A = arith.constant 0 : i32
      %dma_wait3A_43 = tpu.memref_slice %arg2[%add3A_7, %dma_wait3A] : memref<262144x8xf32, #tpu.memory_space<hbm>> -> memref<8192x8xf32, #tpu.memory_space<hbm>>
      %dma_wait3A_44 = arith.constant 0 : i32
      %dma_wait3A_45 = tpu.memref_slice %arg2[%add3A_7, %dma_wait3A_44] : memref<262144x8xf32, #tpu.memory_space<hbm>> -> memref<8192x8xf32, #tpu.memory_space<hbm>>
      tpu.wait_dma2 semaphore(%run_scoped3A : memref<!tpu.dma_semaphore, #tpu.memory_space<semaphore_mem>>) src(%dma_wait3A_45 : memref<8192x8xf32, #tpu.memory_space<hbm>>) dst(%arg7 : memref<8192x8xf32, #tpu.memory_space<vmem>>)
      tpu.yield
    }) : () -> ()
    %scan3A = arith.constant 0 : i32
    %scan3A_8 = arith.constant 0 : i32
    %scan3A_9 = arith.constant 64 : i32
    %scan3A_10 = arith.addi %scan3A_8, %scan3A_9 : i32
    %scan3A_11 = arith.constant 1 : i32
    scf.for %scan3A_40 = %scan3A_8 to %scan3A_10 step %scan3A_11  : i32 {
      %mul3A_41 = arith.constant 128 : i32
      %mul3A_42 = arith.muli %scan3A_40, %mul3A_41 : i32
      %add3A_43 = arith.constant 0 : i32
      %add3A_44 = arith.addi %add3A_43, %scan3A_40 : i32
      "tpu.region"() ({
        %run_scoped3A = tpu.sem_alloc : memref<!tpu.dma_semaphore, #tpu.memory_space<semaphore_mem>>
        %dma_start3A = arith.constant 0 : i32
        %dma_start3A_45 = tpu.memref_slice %arg7[%mul3A_42, %dma_start3A] : memref<8192x8xf32, #tpu.memory_space<vmem>> -> memref<128x8xf32, #tpu.memory_space<vmem>>
        %dma_start3A_46 = arith.constant 0 : i32
        %dma_start3A_47 = tpu.memref_slice %arg6[%add3A_44, %dma_start3A_46] : memref<128x128xi32, #tpu.memory_space<vmem>> -> memref<1x128xi32, #tpu.memory_space<vmem>>
        %dma_start3A_48 = tpu.memref_squeeze %dma_start3A_47 : memref<1x128xi32, #tpu.memory_space<vmem>> -> memref<128xi32, #tpu.memory_space<vmem>>
        %dma_start3A_49 = arith.constant 0 : i32
        %dma_start3A_50 = arith.constant 0 : i32
        %dma_start3A_51 = tpu.memref_slice %arg8[%dma_start3A_49, %dma_start3A_50] : memref<32768x8xf32, #tpu.memory_space<vmem_shared>> -> memref<32768x8xf32, #tpu.memory_space<vmem_shared>>
        tpu.enqueue_indirect_dma source(%dma_start3A_45 : memref<128x8xf32, #tpu.memory_space<vmem>>) target(%dma_start3A_51 : memref<32768x8xf32, #tpu.memory_space<vmem_shared>>) offsets(%dma_start3A_48 : memref<128xi32, #tpu.memory_space<vmem>>) semaphore(%run_scoped3A : memref<!tpu.dma_semaphore, #tpu.memory_space<semaphore_mem>>) {add = true}
        %dma_wait3A = arith.constant 0 : i32
        %dma_wait3A_52 = tpu.memref_slice %arg7[%mul3A_42, %dma_wait3A] : memref<8192x8xf32, #tpu.memory_space<vmem>> -> memref<128x8xf32, #tpu.memory_space<vmem>>
        %dma_wait3A_53 = arith.constant 0 : i32
        %dma_wait3A_54 = tpu.memref_slice %arg6[%add3A_44, %dma_wait3A_53] : memref<128x128xi32, #tpu.memory_space<vmem>> -> memref<1x128xi32, #tpu.memory_space<vmem>>
        %dma_wait3A_55 = tpu.memref_squeeze %dma_wait3A_54 : memref<1x128xi32, #tpu.memory_space<vmem>> -> memref<128xi32, #tpu.memory_space<vmem>>
        %dma_wait3A_56 = arith.constant 0 : i32
        %dma_wait3A_57 = arith.constant 0 : i32
        %dma_wait3A_58 = tpu.memref_slice %arg8[%dma_wait3A_56, %dma_wait3A_57] : memref<32768x8xf32, #tpu.memory_space<vmem_shared>> -> memref<32768x8xf32, #tpu.memory_space<vmem_shared>>
        tpu.wait_indirect_dma semaphore(%run_scoped3A : memref<!tpu.dma_semaphore, #tpu.memory_space<semaphore_mem>>) src(%dma_wait3A_52 : memref<128x8xf32, #tpu.memory_space<vmem>>) dst(%dma_wait3A_58 : memref<32768x8xf32, #tpu.memory_space<vmem_shared>>)
        tpu.yield
      }) : () -> ()
    }
    %scan3A_12 = arith.constant 64 : i32
    %mul3A_13 = arith.constant 16384 : i32
    %mul3A_14 = arith.muli %arg1, %mul3A_13 : i32
    %add3A_15 = arith.constant 8192 : i32
    %add3A_16 = arith.addi %mul3A_14, %add3A_15 : i32
    "tpu.region"() ({
      %run_scoped3A = tpu.sem_alloc : memref<!tpu.dma_semaphore, #tpu.memory_space<semaphore_mem>>
      %dma_start3A = arith.constant 0 : i32
      %dma_start3A_40 = tpu.memref_slice %arg2[%add3A_16, %dma_start3A] : memref<262144x8xf32, #tpu.memory_space<hbm>> -> memref<8192x8xf32, #tpu.memory_space<hbm>>
      %dma_start3A_41 = arith.constant 0 : i32
      %dma_start3A_42 = tpu.memref_slice %arg2[%add3A_16, %dma_start3A_41] : memref<262144x8xf32, #tpu.memory_space<hbm>> -> memref<8192x8xf32, #tpu.memory_space<hbm>>
      tpu.enqueue_dma source(%dma_start3A_42 : memref<8192x8xf32, #tpu.memory_space<hbm>>) target(%arg7 : memref<8192x8xf32, #tpu.memory_space<vmem>>) target_semaphore(%run_scoped3A : memref<!tpu.dma_semaphore, #tpu.memory_space<semaphore_mem>>)
      %dma_wait3A = arith.constant 0 : i32
      %dma_wait3A_43 = tpu.memref_slice %arg2[%add3A_16, %dma_wait3A] : memref<262144x8xf32, #tpu.memory_space<hbm>> -> memref<8192x8xf32, #tpu.memory_space<hbm>>
      %dma_wait3A_44 = arith.constant 0 : i32
      %dma_wait3A_45 = tpu.memref_slice %arg2[%add3A_16, %dma_wait3A_44] : memref<262144x8xf32, #tpu.memory_space<hbm>> -> memref<8192x8xf32, #tpu.memory_space<hbm>>
      tpu.wait_dma2 semaphore(%run_scoped3A : memref<!tpu.dma_semaphore, #tpu.memory_space<semaphore_mem>>) src(%dma_wait3A_45 : memref<8192x8xf32, #tpu.memory_space<hbm>>) dst(%arg7 : memref<8192x8xf32, #tpu.memory_space<vmem>>)
      tpu.yield
    }) : () -> ()
    %scan3A_17 = arith.constant 0 : i32
    %scan3A_18 = arith.constant 0 : i32
    %scan3A_19 = arith.constant 64 : i32
    %scan3A_20 = arith.addi %scan3A_18, %scan3A_19 : i32
    %scan3A_21 = arith.constant 1 : i32
    scf.for %scan3A_40 = %scan3A_18 to %scan3A_20 step %scan3A_21  : i32 {
      %mul3A_41 = arith.constant 128 : i32
      %mul3A_42 = arith.muli %scan3A_40, %mul3A_41 : i32
      %add3A_43 = arith.constant 64 : i32
      %add3A_44 = arith.addi %add3A_43, %scan3A_40 : i32
      "tpu.region"() ({
        %run_scoped3A = tpu.sem_alloc : memref<!tpu.dma_semaphore, #tpu.memory_space<semaphore_mem>>
        %dma_start3A = arith.constant 0 : i32
        %dma_start3A_45 = tpu.memref_slice %arg7[%mul3A_42, %dma_start3A] : memref<8192x8xf32, #tpu.memory_space<vmem>> -> memref<128x8xf32, #tpu.memory_space<vmem>>
        %dma_start3A_46 = arith.constant 0 : i32
        %dma_start3A_47 = tpu.memref_slice %arg6[%add3A_44, %dma_start3A_46] : memref<128x128xi32, #tpu.memory_space<vmem>> -> memref<1x128xi32, #tpu.memory_space<vmem>>
        %dma_start3A_48 = tpu.memref_squeeze %dma_start3A_47 : memref<1x128xi32, #tpu.memory_space<vmem>> -> memref<128xi32, #tpu.memory_space<vmem>>
        %dma_start3A_49 = arith.constant 0 : i32
        %dma_start3A_50 = arith.constant 0 : i32
        %dma_start3A_51 = tpu.memref_slice %arg8[%dma_start3A_49, %dma_start3A_50] : memref<32768x8xf32, #tpu.memory_space<vmem_shared>> -> memref<32768x8xf32, #tpu.memory_space<vmem_shared>>
        tpu.enqueue_indirect_dma source(%dma_start3A_45 : memref<128x8xf32, #tpu.memory_space<vmem>>) target(%dma_start3A_51 : memref<32768x8xf32, #tpu.memory_space<vmem_shared>>) offsets(%dma_start3A_48 : memref<128xi32, #tpu.memory_space<vmem>>) semaphore(%run_scoped3A : memref<!tpu.dma_semaphore, #tpu.memory_space<semaphore_mem>>) {add = true}
        %dma_wait3A = arith.constant 0 : i32
        %dma_wait3A_52 = tpu.memref_slice %arg7[%mul3A_42, %dma_wait3A] : memref<8192x8xf32, #tpu.memory_space<vmem>> -> memref<128x8xf32, #tpu.memory_space<vmem>>
        %dma_wait3A_53 = arith.constant 0 : i32
        %dma_wait3A_54 = tpu.memref_slice %arg6[%add3A_44, %dma_wait3A_53] : memref<128x128xi32, #tpu.memory_space<vmem>> -> memref<1x128xi32, #tpu.memory_space<vmem>>
        %dma_wait3A_55 = tpu.memref_squeeze %dma_wait3A_54 : memref<1x128xi32, #tpu.memory_space<vmem>> -> memref<128xi32, #tpu.memory_space<vmem>>
        %dma_wait3A_56 = arith.constant 0 : i32
        %dma_wait3A_57 = arith.constant 0 : i32
        %dma_wait3A_58 = tpu.memref_slice %arg8[%dma_wait3A_56, %dma_wait3A_57] : memref<32768x8xf32, #tpu.memory_space<vmem_shared>> -> memref<32768x8xf32, #tpu.memory_space<vmem_shared>>
        tpu.wait_indirect_dma semaphore(%run_scoped3A : memref<!tpu.dma_semaphore, #tpu.memory_space<semaphore_mem>>) src(%dma_wait3A_52 : memref<128x8xf32, #tpu.memory_space<vmem>>) dst(%dma_wait3A_58 : memref<32768x8xf32, #tpu.memory_space<vmem_shared>>)
        tpu.yield
      }) : () -> ()
    }
    %scan3A_22 = arith.constant 64 : i32
    %barrier3A_23 = arith.constant 0 : index
    tpu.barrier barrier_id(%barrier3A_23)
    %mul3A_24 = arith.constant 131072 : i32
    %mul3A_25 = arith.muli %arg0, %mul3A_24 : i32
    %mul3A_26 = arith.constant 8192 : i32
    %mul3A_27 = arith.muli %arg1, %mul3A_26 : i32
    %add3A_28 = arith.addi %mul3A_25, %mul3A_27 : i32
    %mul3A_29 = arith.constant 1024 : i32
    %mul3A_30 = arith.muli %arg0, %mul3A_29 : i32
    %mul3A_31 = arith.constant 64 : i32
    %mul3A_32 = arith.muli %arg1, %mul3A_31 : i32
    %add3A_33 = arith.addi %mul3A_30, %mul3A_32 : i32
    "tpu.region"() ({
      %run_scoped3A = tpu.sem_alloc : memref<!tpu.dma_semaphore, #tpu.memory_space<semaphore_mem>>
      %dma_start3A = arith.constant 0 : i32
      %dma_start3A_40 = arith.constant 0 : i32
      %dma_start3A_41 = tpu.memref_slice %arg6[%dma_start3A, %dma_start3A_40] : memref<128x128xi32, #tpu.memory_space<vmem>> -> memref<64x128xi32, #tpu.memory_space<vmem>>
      %dma_start3A_42 = arith.constant 0 : i32
      %dma_start3A_43 = tpu.memref_slice %arg3[%add3A_33, %dma_start3A_42] : memref<2048x128xi32, #tpu.memory_space<hbm>> -> memref<64x128xi32, #tpu.memory_space<hbm>>
      %dma_start3A_44 = arith.constant 0 : i32
      %dma_start3A_45 = arith.constant 0 : i32
      %dma_start3A_46 = tpu.memref_slice %arg6[%dma_start3A_44, %dma_start3A_45] : memref<128x128xi32, #tpu.memory_space<vmem>> -> memref<64x128xi32, #tpu.memory_space<vmem>>
      %dma_start3A_47 = arith.constant 0 : i32
      %dma_start3A_48 = tpu.memref_slice %arg3[%add3A_33, %dma_start3A_47] : memref<2048x128xi32, #tpu.memory_space<hbm>> -> memref<64x128xi32, #tpu.memory_space<hbm>>
      tpu.enqueue_dma source(%dma_start3A_48 : memref<64x128xi32, #tpu.memory_space<hbm>>) target(%dma_start3A_46 : memref<64x128xi32, #tpu.memory_space<vmem>>) target_semaphore(%run_scoped3A : memref<!tpu.dma_semaphore, #tpu.memory_space<semaphore_mem>>)
      %dma_wait3A = arith.constant 0 : i32
      %dma_wait3A_49 = arith.constant 0 : i32
      %dma_wait3A_50 = tpu.memref_slice %arg6[%dma_wait3A, %dma_wait3A_49] : memref<128x128xi32, #tpu.memory_space<vmem>> -> memref<64x128xi32, #tpu.memory_space<vmem>>
      %dma_wait3A_51 = arith.constant 0 : i32
      %dma_wait3A_52 = tpu.memref_slice %arg3[%add3A_33, %dma_wait3A_51] : memref<2048x128xi32, #tpu.memory_space<hbm>> -> memref<64x128xi32, #tpu.memory_space<hbm>>
      %dma_wait3A_53 = arith.constant 0 : i32
      %dma_wait3A_54 = arith.constant 0 : i32
      %dma_wait3A_55 = tpu.memref_slice %arg6[%dma_wait3A_53, %dma_wait3A_54] : memref<128x128xi32, #tpu.memory_space<vmem>> -> memref<64x128xi32, #tpu.memory_space<vmem>>
      %dma_wait3A_56 = arith.constant 0 : i32
      %dma_wait3A_57 = tpu.memref_slice %arg3[%add3A_33, %dma_wait3A_56] : memref<2048x128xi32, #tpu.memory_space<hbm>> -> memref<64x128xi32, #tpu.memory_space<hbm>>
      tpu.wait_dma2 semaphore(%run_scoped3A : memref<!tpu.dma_semaphore, #tpu.memory_space<semaphore_mem>>) src(%dma_wait3A_57 : memref<64x128xi32, #tpu.memory_space<hbm>>) dst(%dma_wait3A_55 : memref<64x128xi32, #tpu.memory_space<vmem>>)
      tpu.yield
    }) : () -> ()
    %scan3A_34 = arith.constant 0 : i32
    %scan3A_35 = arith.constant 0 : i32
    %scan3A_36 = arith.constant 64 : i32
    %scan3A_37 = arith.addi %scan3A_35, %scan3A_36 : i32
    %scan3A_38 = arith.constant 1 : i32
    scf.for %scan3A_40 = %scan3A_35 to %scan3A_37 step %scan3A_38  : i32 {
      %mul3A_41 = arith.constant 128 : i32
      %mul3A_42 = arith.muli %scan3A_40, %mul3A_41 : i32
      "tpu.region"() ({
        %run_scoped3A = tpu.sem_alloc : memref<!tpu.dma_semaphore, #tpu.memory_space<semaphore_mem>>
        %dma_start3A = arith.constant 0 : i32
        %dma_start3A_43 = tpu.memref_slice %arg7[%mul3A_42, %dma_start3A] : memref<8192x8xf32, #tpu.memory_space<vmem>> -> memref<128x8xf32, #tpu.memory_space<vmem>>
        %dma_start3A_44 = arith.constant 0 : i32
        %dma_start3A_45 = tpu.memref_slice %arg6[%scan3A_40, %dma_start3A_44] : memref<128x128xi32, #tpu.memory_space<vmem>> -> memref<1x128xi32, #tpu.memory_space<vmem>>
        %dma_start3A_46 = tpu.memref_squeeze %dma_start3A_45 : memref<1x128xi32, #tpu.memory_space<vmem>> -> memref<128xi32, #tpu.memory_space<vmem>>
        %dma_start3A_47 = arith.constant 0 : i32
        %dma_start3A_48 = arith.constant 0 : i32
        %dma_start3A_49 = tpu.memref_slice %arg8[%dma_start3A_47, %dma_start3A_48] : memref<32768x8xf32, #tpu.memory_space<vmem_shared>> -> memref<32768x8xf32, #tpu.memory_space<vmem_shared>>
        tpu.enqueue_indirect_dma source(%dma_start3A_49 : memref<32768x8xf32, #tpu.memory_space<vmem_shared>>) target(%dma_start3A_43 : memref<128x8xf32, #tpu.memory_space<vmem>>) offsets(%dma_start3A_46 : memref<128xi32, #tpu.memory_space<vmem>>) semaphore(%run_scoped3A : memref<!tpu.dma_semaphore, #tpu.memory_space<semaphore_mem>>)
        %dma_wait3A = arith.constant 0 : i32
        %dma_wait3A_50 = tpu.memref_slice %arg7[%mul3A_42, %dma_wait3A] : memref<8192x8xf32, #tpu.memory_space<vmem>> -> memref<128x8xf32, #tpu.memory_space<vmem>>
        %dma_wait3A_51 = arith.constant 0 : i32
        %dma_wait3A_52 = tpu.memref_slice %arg6[%scan3A_40, %dma_wait3A_51] : memref<128x128xi32, #tpu.memory_space<vmem>> -> memref<1x128xi32, #tpu.memory_space<vmem>>
        %dma_wait3A_53 = tpu.memref_squeeze %dma_wait3A_52 : memref<1x128xi32, #tpu.memory_space<vmem>> -> memref<128xi32, #tpu.memory_space<vmem>>
        %dma_wait3A_54 = arith.constant 0 : i32
        %dma_wait3A_55 = arith.constant 0 : i32
        %dma_wait3A_56 = tpu.memref_slice %arg8[%dma_wait3A_54, %dma_wait3A_55] : memref<32768x8xf32, #tpu.memory_space<vmem_shared>> -> memref<32768x8xf32, #tpu.memory_space<vmem_shared>>
        tpu.wait_indirect_dma semaphore(%run_scoped3A : memref<!tpu.dma_semaphore, #tpu.memory_space<semaphore_mem>>) src(%dma_wait3A_56 : memref<32768x8xf32, #tpu.memory_space<vmem_shared>>) dst(%dma_wait3A_50 : memref<128x8xf32, #tpu.memory_space<vmem>>)
        tpu.yield
      }) : () -> ()
    }
    %scan3A_39 = arith.constant 64 : i32
    "tpu.region"() ({
      %run_scoped3A = tpu.sem_alloc : memref<!tpu.dma_semaphore, #tpu.memory_space<semaphore_mem>>
      %dma_start3A = arith.constant 0 : i32
      %dma_start3A_40 = arith.constant 0 : i32
      %dma_start3A_41 = tpu.memref_slice %arg7[%dma_start3A, %dma_start3A_40] : memref<8192x8xf32, #tpu.memory_space<vmem>> -> memref<8192x8xf32, #tpu.memory_space<vmem>>
      %dma_start3A_42 = arith.constant 0 : i32
      %dma_start3A_43 = tpu.memref_slice %arg5[%add3A_28, %dma_start3A_42] : memref<262144x8xf32, #tpu.memory_space<hbm>> -> memref<8192x8xf32, #tpu.memory_space<hbm>>
      %dma_start3A_44 = arith.constant 0 : i32
      %dma_start3A_45 = tpu.memref_slice %arg5[%add3A_28, %dma_start3A_44] : memref<262144x8xf32, #tpu.memory_space<hbm>> -> memref<8192x8xf32, #tpu.memory_space<hbm>>
      %dma_start3A_46 = arith.constant 0 : i32
      %dma_start3A_47 = arith.constant 0 : i32
      %dma_start3A_48 = tpu.memref_slice %arg7[%dma_start3A_46, %dma_start3A_47] : memref<8192x8xf32, #tpu.memory_space<vmem>> -> memref<8192x8xf32, #tpu.memory_space<vmem>>
      tpu.enqueue_dma source(%dma_start3A_48 : memref<8192x8xf32, #tpu.memory_space<vmem>>) target(%dma_start3A_45 : memref<8192x8xf32, #tpu.memory_space<hbm>>) target_semaphore(%run_scoped3A : memref<!tpu.dma_semaphore, #tpu.memory_space<semaphore_mem>>)
      %dma_wait3A = arith.constant 0 : i32
      %dma_wait3A_49 = arith.constant 0 : i32
      %dma_wait3A_50 = tpu.memref_slice %arg7[%dma_wait3A, %dma_wait3A_49] : memref<8192x8xf32, #tpu.memory_space<vmem>> -> memref<8192x8xf32, #tpu.memory_space<vmem>>
      %dma_wait3A_51 = arith.constant 0 : i32
      %dma_wait3A_52 = tpu.memref_slice %arg5[%add3A_28, %dma_wait3A_51] : memref<262144x8xf32, #tpu.memory_space<hbm>> -> memref<8192x8xf32, #tpu.memory_space<hbm>>
      %dma_wait3A_53 = arith.constant 0 : i32
      %dma_wait3A_54 = tpu.memref_slice %arg5[%add3A_28, %dma_wait3A_53] : memref<262144x8xf32, #tpu.memory_space<hbm>> -> memref<8192x8xf32, #tpu.memory_space<hbm>>
      %dma_wait3A_55 = arith.constant 0 : i32
      %dma_wait3A_56 = arith.constant 0 : i32
      %dma_wait3A_57 = tpu.memref_slice %arg7[%dma_wait3A_55, %dma_wait3A_56] : memref<8192x8xf32, #tpu.memory_space<vmem>> -> memref<8192x8xf32, #tpu.memory_space<vmem>>
      tpu.wait_dma2 semaphore(%run_scoped3A : memref<!tpu.dma_semaphore, #tpu.memory_space<semaphore_mem>>) src(%dma_wait3A_57 : memref<8192x8xf32, #tpu.memory_space<vmem>>) dst(%dma_wait3A_54 : memref<8192x8xf32, #tpu.memory_space<hbm>>)
      tpu.yield
    }) : () -> ()
    return
  }
}

module attributes {stable_mosaic.version = 14 : i64} {
  func.func @body(%arg0: i32, %arg1: memref<4096x8xf32, #tpu.memory_space<vmem>>, %arg2: memref<4096x8xf32, #tpu.memory_space<vmem>>, %arg3: memref<4096x64xf32, #tpu.memory_space<vmem>>, %arg4: memref<8x64xf32, #tpu.memory_space<vmem>>, %arg5: memref<1x64xf32, #tpu.memory_space<vmem>>, %arg6: memref<64x64xf32, #tpu.memory_space<vmem>>, %arg7: memref<1x64xf32, #tpu.memory_space<vmem>>, %arg8: memref<8x64xf32, #tpu.memory_space<vmem>>, %arg9: memref<1x64xf32, #tpu.memory_space<vmem>>, %arg10: memref<64x64xf32, #tpu.memory_space<vmem>>, %arg11: memref<1x64xf32, #tpu.memory_space<vmem>>, %arg12: memref<4096x64xf32, #tpu.memory_space<vmem>>, %arg13: memref<4096x64xf32, #tpu.memory_space<vmem>>) attributes {dimension_semantics = [#tpu.dimension_semantics<arbitrary>], iteration_bounds = array<i64: 64>, scalar_prefetch = 0 : i64, scratch_operands = 0 : i64, tpu.core_type = #tpu.core_type<tc>, window_params = [{transform_indices = @transform_0, window_bounds = array<i64: 4096, 8>}, {transform_indices = @transform_1, window_bounds = array<i64: 4096, 8>}, {transform_indices = @transform_2, window_bounds = array<i64: 4096, 64>}, {pipeline_mode = #tpu.pipeline_mode<synchronous>, transform_indices = @transform_3, window_bounds = array<i64: 8, 64>}, {pipeline_mode = #tpu.pipeline_mode<synchronous>, transform_indices = @transform_4, window_bounds = array<i64: 1, 64>}, {pipeline_mode = #tpu.pipeline_mode<synchronous>, transform_indices = @transform_5, window_bounds = array<i64: 64, 64>}, {pipeline_mode = #tpu.pipeline_mode<synchronous>, transform_indices = @transform_6, window_bounds = array<i64: 1, 64>}, {pipeline_mode = #tpu.pipeline_mode<synchronous>, transform_indices = @transform_7, window_bounds = array<i64: 8, 64>}, {pipeline_mode = #tpu.pipeline_mode<synchronous>, transform_indices = @transform_8, window_bounds = array<i64: 1, 64>}, {pipeline_mode = #tpu.pipeline_mode<synchronous>, transform_indices = @transform_9, window_bounds = array<i64: 64, 64>}, {pipeline_mode = #tpu.pipeline_mode<synchronous>, transform_indices = @transform_10, window_bounds = array<i64: 1, 64>}, {transform_indices = @transform_11, window_bounds = array<i64: 4096, 64>}, {transform_indices = @transform_12, window_bounds = array<i64: 4096, 64>}]} {
    %get3A = arith.constant 0 : index
    %get3A_0 = arith.constant 0 : index
    %get3A_1 = vector.load %arg1[%get3A, %get3A_0] : memref<4096x8xf32, #tpu.memory_space<vmem>>, vector<4096x8xf32>
    %get3A_2 = arith.constant 0 : index
    %get3A_3 = arith.constant 0 : index
    %get3A_4 = vector.load %arg2[%get3A_2, %get3A_3] : memref<4096x8xf32, #tpu.memory_space<vmem>>, vector<4096x8xf32>
    %slice3A = vector.extract_strided_slice %get3A_4 {offsets = [0, 3], sizes = [4096, 1], strides = [1, 1]} : vector<4096x8xf32> to vector<4096x1xf32>
    %max3A = arith.constant 1.000000e+00 : f32
    %max3A_5 = vector.broadcast %max3A : f32 to vector<4096x1xf32>
    %max3A_6 = arith.maximumf %slice3A, %max3A_5 : vector<4096x1xf32>
    %div3A = arith.constant 1.000000e+00 : f32
    %div3A_7 = vector.broadcast %div3A : f32 to vector<4096x1xf32>
    %div3A_8 = arith.divf %div3A_7, %max3A_6 : vector<4096x1xf32>
    %mul3A = vector.broadcast %div3A_8 : vector<4096x1xf32> to vector<4096x8xf32>
    %mul3A_9 = arith.mulf %get3A_4, %mul3A : vector<4096x8xf32>
    %sub3A = arith.subf %get3A_1, %mul3A_9 : vector<4096x8xf32>
    %mul3A_10 = arith.mulf %sub3A, %sub3A : vector<4096x8xf32>
    %reduce_sum3A = arith.constant dense<0.000000e+00> : vector<4096xf32>
    %reduce_sum3A_11 = vector.multi_reduction <add>, %mul3A_10, %reduce_sum3A [1] : vector<4096x8xf32> to vector<4096xf32>
    %broadcast_in_dim3A = vector.shape_cast %reduce_sum3A_11 : vector<4096xf32> to vector<4096x1xf32>
    %sqrt3A = math.sqrt %broadcast_in_dim3A : vector<4096x1xf32>
    %iota3A = tpu.iota {dimensions = array<i32: 1>} : vector<1x8xi32>
    %eq3A = arith.constant 3 : i32
    %eq3A_12 = vector.broadcast %eq3A : i32 to vector<1x8xi32>
    %eq3A_13 = arith.cmpi eq, %iota3A, %eq3A_12 : vector<1x8xi32>
    %convert_element_type3A = arith.extui %eq3A_13 : vector<1x8xi1> to vector<1x8xi32>
    %convert_element_type3A_14 = arith.sitofp %convert_element_type3A : vector<1x8xi32> to vector<1x8xf32>
    %mul3A_15 = vector.broadcast %sqrt3A : vector<4096x1xf32> to vector<4096x8xf32>
    %mul3A_16 = vector.broadcast %convert_element_type3A_14 : vector<1x8xf32> to vector<4096x8xf32>
    %mul3A_17 = arith.mulf %mul3A_15, %mul3A_16 : vector<4096x8xf32>
    %add3A = arith.addf %sub3A, %mul3A_17 : vector<4096x8xf32>
    %get3A_18 = arith.constant 0 : index
    %get3A_19 = arith.constant 0 : index
    %get3A_20 = vector.load %arg4[%get3A_18, %get3A_19] : memref<8x64xf32, #tpu.memory_space<vmem>>, vector<8x64xf32>
    %dot_general3A = arith.constant dense<0.000000e+00> : vector<4096x64xf32>
    %dot_general3A_21 = tpu.matmul %add3A, %get3A_20, %dot_general3A {dimension_numbers = #tpu.dot_dimension_numbers<[1], [0], [0], [1], [0, 0, 1, 1], [], []>, transpose_lhs_hint = false} : vector<4096x8xf32>, vector<8x64xf32>, vector<4096x64xf32> -> vector<4096x64xf32>
    %get3A_22 = arith.constant 0 : index
    %get3A_23 = arith.constant 0 : index
    %get3A_24 = vector.load %arg5[%get3A_22, %get3A_23] : memref<1x64xf32, #tpu.memory_space<vmem>>, vector<1x64xf32>
    %add3A_25 = vector.broadcast %get3A_24 : vector<1x64xf32> to vector<4096x64xf32>
    %add3A_26 = arith.addf %dot_general3A_21, %add3A_25 : vector<4096x64xf32>
    %max3A_27 = arith.constant 0.000000e+00 : f32
    %max3A_28 = vector.broadcast %max3A_27 : f32 to vector<4096x64xf32>
    %max3A_29 = arith.maximumf %add3A_26, %max3A_28 : vector<4096x64xf32>
    %get3A_30 = arith.constant 0 : index
    %get3A_31 = arith.constant 0 : index
    %get3A_32 = vector.load %arg3[%get3A_30, %get3A_31] : memref<4096x64xf32, #tpu.memory_space<vmem>>, vector<4096x64xf32>
    %get3A_33 = arith.constant 0 : index
    %get3A_34 = arith.constant 0 : index
    %get3A_35 = vector.load %arg6[%get3A_33, %get3A_34] : memref<64x64xf32, #tpu.memory_space<vmem>>, vector<64x64xf32>
    %dot_general3A_36 = arith.constant dense<0.000000e+00> : vector<4096x64xf32>
    %dot_general3A_37 = tpu.matmul %max3A_29, %get3A_35, %dot_general3A_36 {dimension_numbers = #tpu.dot_dimension_numbers<[1], [0], [0], [1], [0, 0, 1, 1], [], []>, transpose_lhs_hint = false} : vector<4096x64xf32>, vector<64x64xf32>, vector<4096x64xf32> -> vector<4096x64xf32>
    %add3A_38 = arith.addf %get3A_32, %dot_general3A_37 : vector<4096x64xf32>
    %get3A_39 = arith.constant 0 : index
    %get3A_40 = arith.constant 0 : index
    %get3A_41 = vector.load %arg7[%get3A_39, %get3A_40] : memref<1x64xf32, #tpu.memory_space<vmem>>, vector<1x64xf32>
    %add3A_42 = vector.broadcast %get3A_41 : vector<1x64xf32> to vector<4096x64xf32>
    %add3A_43 = arith.addf %add3A_38, %add3A_42 : vector<4096x64xf32>
    %swap3A = arith.constant 0 : index
    %swap3A_44 = arith.constant 0 : index
    %swap3A_45 = vector.load %arg12[%swap3A, %swap3A_44] : memref<4096x64xf32, #tpu.memory_space<vmem>>, vector<4096x64xf32>
    tpu.vector_store %arg12[%swap3A, %swap3A_44], %add3A_43 {strides = array<i32>} : memref<4096x64xf32, #tpu.memory_space<vmem>>, vector<4096x64xf32>,
    %get3A_46 = arith.constant 0 : index
    %get3A_47 = arith.constant 0 : index
    %get3A_48 = vector.load %arg8[%get3A_46, %get3A_47] : memref<8x64xf32, #tpu.memory_space<vmem>>, vector<8x64xf32>
    %dot_general3A_49 = arith.constant dense<0.000000e+00> : vector<4096x64xf32>
    %dot_general3A_50 = tpu.matmul %sub3A, %get3A_48, %dot_general3A_49 {dimension_numbers = #tpu.dot_dimension_numbers<[1], [0], [0], [1], [0, 0, 1, 1], [], []>, transpose_lhs_hint = false} : vector<4096x8xf32>, vector<8x64xf32>, vector<4096x64xf32> -> vector<4096x64xf32>
    %get3A_51 = arith.constant 0 : index
    %get3A_52 = arith.constant 0 : index
    %get3A_53 = vector.load %arg9[%get3A_51, %get3A_52] : memref<1x64xf32, #tpu.memory_space<vmem>>, vector<1x64xf32>
    %add3A_54 = vector.broadcast %get3A_53 : vector<1x64xf32> to vector<4096x64xf32>
    %add3A_55 = arith.addf %dot_general3A_50, %add3A_54 : vector<4096x64xf32>
    %max3A_56 = arith.constant 0.000000e+00 : f32
    %max3A_57 = vector.broadcast %max3A_56 : f32 to vector<4096x64xf32>
    %max3A_58 = arith.maximumf %add3A_55, %max3A_57 : vector<4096x64xf32>
    %get3A_59 = arith.constant 0 : index
    %get3A_60 = arith.constant 0 : index
    %get3A_61 = vector.load %arg10[%get3A_59, %get3A_60] : memref<64x64xf32, #tpu.memory_space<vmem>>, vector<64x64xf32>
    %dot_general3A_62 = arith.constant dense<0.000000e+00> : vector<4096x64xf32>
    %dot_general3A_63 = tpu.matmul %max3A_58, %get3A_61, %dot_general3A_62 {dimension_numbers = #tpu.dot_dimension_numbers<[1], [0], [0], [1], [0, 0, 1, 1], [], []>, transpose_lhs_hint = false} : vector<4096x64xf32>, vector<64x64xf32>, vector<4096x64xf32> -> vector<4096x64xf32>
    %add3A_64 = arith.addf %get3A_32, %dot_general3A_63 : vector<4096x64xf32>
    %get3A_65 = arith.constant 0 : index
    %get3A_66 = arith.constant 0 : index
    %get3A_67 = vector.load %arg11[%get3A_65, %get3A_66] : memref<1x64xf32, #tpu.memory_space<vmem>>, vector<1x64xf32>
    %add3A_68 = vector.broadcast %get3A_67 : vector<1x64xf32> to vector<4096x64xf32>
    %add3A_69 = arith.addf %add3A_64, %add3A_68 : vector<4096x64xf32>
    %swap3A_70 = arith.constant 0 : index
    %swap3A_71 = arith.constant 0 : index
    %swap3A_72 = vector.load %arg13[%swap3A_70, %swap3A_71] : memref<4096x64xf32, #tpu.memory_space<vmem>>, vector<4096x64xf32>
    tpu.vector_store %arg13[%swap3A_70, %swap3A_71], %add3A_69 {strides = array<i32>} : memref<4096x64xf32, #tpu.memory_space<vmem>>, vector<4096x64xf32>,
    return
  }
  func.func @transform_0(%arg0: i32) -> (i32, i32) {
    %c0_i32 = arith.constant 0 : i32
    %c0_i32_0 = arith.constant 0 : i32
    return %arg0, %c0_i32 : i32, i32
  }
  func.func @transform_1(%arg0: i32) -> (i32, i32) {
    %c0_i32 = arith.constant 0 : i32
    %c0_i32_0 = arith.constant 0 : i32
    return %arg0, %c0_i32 : i32, i32
  }
  func.func @transform_2(%arg0: i32) -> (i32, i32) {
    %c0_i32 = arith.constant 0 : i32
    %c0_i32_0 = arith.constant 0 : i32
    return %arg0, %c0_i32 : i32, i32
  }
  func.func @transform_3(%arg0: i32) -> (i32, i32) {
    %c0_i32 = arith.constant 0 : i32
    %c0_i32_0 = arith.constant 0 : i32
    %c0_i32_1 = arith.constant 0 : i32
    return %c0_i32, %c0_i32_0 : i32, i32
  }
  func.func @transform_4(%arg0: i32) -> (i32, i32) {
    %c0_i32 = arith.constant 0 : i32
    %c0_i32_0 = arith.constant 0 : i32
    %c0_i32_1 = arith.constant 0 : i32
    return %c0_i32, %c0_i32_0 : i32, i32
  }
  func.func @transform_5(%arg0: i32) -> (i32, i32) {
    %c0_i32 = arith.constant 0 : i32
    %c0_i32_0 = arith.constant 0 : i32
    %c0_i32_1 = arith.constant 0 : i32
    return %c0_i32, %c0_i32_0 : i32, i32
  }
  func.func @transform_6(%arg0: i32) -> (i32, i32) {
    %c0_i32 = arith.constant 0 : i32
    %c0_i32_0 = arith.constant 0 : i32
    %c0_i32_1 = arith.constant 0 : i32
    return %c0_i32, %c0_i32_0 : i32, i32
  }
  func.func @transform_7(%arg0: i32) -> (i32, i32) {
    %c0_i32 = arith.constant 0 : i32
    %c0_i32_0 = arith.constant 0 : i32
    %c0_i32_1 = arith.constant 0 : i32
    return %c0_i32, %c0_i32_0 : i32, i32
  }
  func.func @transform_8(%arg0: i32) -> (i32, i32) {
    %c0_i32 = arith.constant 0 : i32
    %c0_i32_0 = arith.constant 0 : i32
    %c0_i32_1 = arith.constant 0 : i32
    return %c0_i32, %c0_i32_0 : i32, i32
  }
  func.func @transform_9(%arg0: i32) -> (i32, i32) {
    %c0_i32 = arith.constant 0 : i32
    %c0_i32_0 = arith.constant 0 : i32
    %c0_i32_1 = arith.constant 0 : i32
    return %c0_i32, %c0_i32_0 : i32, i32
  }
  func.func @transform_10(%arg0: i32) -> (i32, i32) {
    %c0_i32 = arith.constant 0 : i32
    %c0_i32_0 = arith.constant 0 : i32
    %c0_i32_1 = arith.constant 0 : i32
    return %c0_i32, %c0_i32_0 : i32, i32
  }
  func.func @transform_11(%arg0: i32) -> (i32, i32) {
    %c0_i32 = arith.constant 0 : i32
    %c0_i32_0 = arith.constant 0 : i32
    return %arg0, %c0_i32 : i32, i32
  }
  func.func @transform_12(%arg0: i32) -> (i32, i32) {
    %c0_i32 = arith.constant 0 : i32
    %c0_i32_0 = arith.constant 0 : i32
    return %arg0, %c0_i32 : i32, i32
  }
}

</mosaic_0001>

<sc_bundles>
// kernel: kernel.4.cloned.1.call-start
scs
__scs_entry_jumppad:
0x0: {  	(pc) =	sbr.rel $0x88, $3  }
0x1: {  	(tag) =	ssettag $0x0;
	lr =	simm.s32 $0x1  }
0x2: {  	[smem:$0x3F96] =	sst lr;
	_ =	strace $0xD0000000  }
0x3: {  	_ = 	snop  }
0x4: {  	_ = 	snop  }
0x5: {  	_ = 	snop  }
0x6: {  	_ = 	snop  }
0x7: {  	_ = 	snop  }
__scs_overlays_trampoline_lowered:
0x8: {  	[smem:$0x3FA5] =	sst s0  }
0x9: {  	[smem:$0x3FA6] =	sst s1  }
0xa: {  	[smem:$0x3FA7] =	sst s2  }
0xb: {  	[smem:$0x3FA8] =	sst s3  }
0xc: {  	[smem:$0x3FA9] =	sst s4  }
0xd: {  	[smem:$0x3FAA] =	sst s5  }
0xe: {  	[smem:$0x3FAB] =	sst s6  }
0xf: {  	[smem:$0x3FAC] =	sst s7  }
0x10: {  	[smem:$0x3FAD] =	sst s8  }
0x11: {  	[smem:$0x3FAE] =	sst s9;
	s0 =	simm.s32 @!p0 $0x0  }
0x12: {  	s1 =	sld [smem:$0x3F94];
	s0 =	simm.s32 @p0 $0x1  }
0x13: {  	[smem:$0x3FAF] =	sst s0;
	s0 =	simm.s32 @!p1 $0x0  }
0x14: {  	s2 =	sld [smem:$0x3F93];
	s0 =	simm.s32 @p1 $0x1  }
0x15: {  	[smem:$0x3FB0] =	sst s0;
	s0 =	simm.s32 @!p2 $0x0  }
0x16: {  	s3 =	sld [smem:$0x3FDB];
	s0 =	simm.s32 @p2 $0x1  }
0x17: {  	s4 =	simm.s32 $0x1BF5;
	[smem:$0x3FB2] =	sst s0  }
0x18: {  	s0 =	sld [smem:$0x3F95];
	_ =	swait.ge [sflag:s4], $0x0  }
0x19: {  	s7 =	sld [smem:$0x3F96]  }
0x1a: {  	s8 =	sadd.s32 $0xFFFFE003, lr  }
0x1b: {  	s9 =	sadd.s32 $0xFFFFFEF7, lr;
	s5 =	simm.s32 $0xFFFFFFFF;
	p2 =	slt.u32 s8, $0xFFFFF086  }
0x1c: {  	p1 =	slt.u32 s9, $0xF7A;
	s5 =	simm.s32 @!p2 $0x0  }
0x1d: {  	s5 =	simm.s32 @p1 $0x1;
	p0 =	seq.s32 s7, s2  }
0x1e: {  	s7 =	smul.u32 @!p0 $0xF7A, s2;
	p2 =	seq.s32 @!p0 s5, $0x0  }
0x1f: {  	s9 =	smul.u32 $0xF7A, s1;
	s8 =	simm.s32 @!p0 $0x1BF5;
	p2 =	por !p2, p0  }
0x20: {  	[sflag:s8] =	ssyncset.s32 @!p0 $0xFFFFF086;
	s6 =	sadd.s32 @!p0 s3, s7;
	s7 =	simm.s32 @!p0 $0x108  }
0x21: {  	s3 =	sadd.s32 s3, s9;
	s6 =	sadd.s32 @!p0 $0x88, s6;
	s7 =	simm.s32 @p2 $0x1082  }
0x22: {  	[simem:s7], [sflag:s8] =	dma.local @!p0 [hbm:s6], $0xF7A  }
0x23: {  	s9 =	sor.u32 $0xD0000000, s2;
	s6 =	simm.s32 $0x108;
	_ =	swait.ge @!p0 [sflag:s8], $0x0  }
0x24: {  	s3 =	sadd.s32 $0x88, s3;
	s6 =	simm.s32 @!p1 $0x1082;
	[sflag:s4] =	ssyncset.s32 $0xFFFFF086  }
0x25: {  	[simem:s6], [sflag:s4] =	dma.local [hbm:s3], $0xF7A  }
0x26: {  	[smem:$0x3F96] =	sst s1;
	(tag) =	ssettag s2;
	_ =	strace s9  }
0x27: {  	s1 =	sld [smem:$0x3FA6]  }
0x28: {  	s2 =	sld [smem:$0x3FA7]  }
0x29: {  	s4 =	sld [smem:$0x3FA9]  }
0x2a: {  	p0 =	seq.s32 s5, $0x0;
	s5 =	sld [smem:$0x3FAA]  }
0x2b: {  	s6 =	sld [smem:$0x3FAB]  }
0x2c: {  	s7 =	sld [smem:$0x3FAC]  }
0x2d: {  	s3 =	simm.s32 $0x108;
	s8 =	sld [smem:$0x3FAD]  }
0x2e: {  	s3 =	simm.s32 @!p0 $0x1082;
	s9 =	sld [smem:$0x3FAE]  }
0x2f: {  	lr =	sadd.s32 s0, s3;
	s0 =	sld [smem:$0x3FA5]  }
0x30: {  	s3 =	sld [smem:$0x3FA8]  }
0x31: {  	[smem:$0x3FB1] =	sst s10  }
0x32: {  	s10 =	sld [smem:$0x3FAF];
	_ =	sdelay $0x3  }
0x33: {  	p0 =	seq.s32 s10, $0x1;
	s10 =	sld [smem:$0x3FB1];
	_ =	sdelay $0x3  }
0x34: {  	[smem:$0x3FB1] =	sst s10  }
0x35: {  	s10 =	sld [smem:$0x3FB0];
	_ =	sdelay $0x3  }
0x36: {  	p1 =	seq.s32 s10, $0x1;
	s10 =	sld [smem:$0x3FB1];
	_ =	sdelay $0x3  }
0x37: {  	[smem:$0x3FB1] =	sst s10  }
0x38: {  	s10 =	sld [smem:$0x3FB2]  }
0x39: {  	_ = 	snop;
	(pc) =	sbr.ind lr, $3  }
0x3a: {  	_ = 	snop  }
0x3b: {  	_ = 	snop  }
0x3c: {  	p2 =	seq.s32 s10, $0x1;
	s10 =	sld [smem:$0x3FB1]  }
0x3d: {  	_ =	shalt  }
0x3e: {  	_ =	shalt  }
0x3f: {  	_ =	shalt  }
0x40: {  	_ =	shalt  }
0x41: {  	_ =	shalt  }
0x42: {  	_ =	shalt  }
0x43: {  	_ =	shalt  }
0x44: {  	_ =	shalt  }
0x45: {  	_ =	shalt  }
0x46: {  	_ =	shalt  }
0x47: {  	_ =	shalt  }
0x48: {  	_ =	shalt  }
0x49: {  	_ =	shalt  }
0x4a: {  	_ =	shalt  }
0x4b: {  	_ =	shalt  }
0x4c: {  	_ =	shalt  }
0x4d: {  	_ =	shalt  }
0x4e: {  	_ =	shalt  }
0x4f: {  	_ =	shalt  }
0x50: {  	_ =	shalt  }
0x51: {  	_ =	shalt  }
0x52: {  	_ =	shalt  }
0x53: {  	_ =	shalt  }
0x54: {  	_ =	shalt  }
0x55: {  	_ =	shalt  }
0x56: {  	_ =	shalt  }
0x57: {  	_ =	shalt  }
0x58: {  	_ =	shalt  }
0x59: {  	_ =	shalt  }
0x5a: {  	_ =	shalt  }
0x5b: {  	_ =	shalt  }
0x5c: {  	_ =	shalt  }
0x5d: {  	_ =	shalt  }
0x5e: {  	_ =	shalt  }
0x5f: {  	_ =	shalt  }
0x60: {  	_ =	shalt  }
0x61: {  	_ =	shalt  }
0x62: {  	_ =	shalt  }
0x63: {  	_ =	shalt  }
0x64: {  	_ =	shalt  }
0x65: {  	_ =	shalt  }
0x66: {  	_ =	shalt  }
0x67: {  	_ =	shalt  }
0x68: {  	_ =	shalt  }
0x69: {  	_ =	shalt  }
0x6a: {  	_ =	shalt  }
0x6b: {  	_ =	shalt  }
0x6c: {  	_ =	shalt  }
0x6d: {  	_ =	shalt  }
0x6e: {  	_ =	shalt  }
0x6f: {  	_ =	shalt  }
0x70: {  	_ =	shalt  }
0x71: {  	_ =	shalt  }
0x72: {  	_ =	shalt  }
0x73: {  	_ =	shalt  }
0x74: {  	_ =	shalt  }
0x75: {  	_ =	shalt  }
0x76: {  	_ =	shalt  }
0x77: {  	_ =	shalt  }
0x78: {  	_ =	shalt  }
0x79: {  	_ =	shalt  }
0x7a: {  	_ =	shalt  }
0x7b: {  	_ =	shalt  }
0x7c: {  	_ =	shalt  }
0x7d: {  	_ =	shalt  }
0x7e: {  	_ =	shalt  }
0x7f: {  	_ =	shalt  }
0x80: {  	_ =	shalt  }
0x81: {  	_ =	shalt  }
0x82: {  	_ =	shalt  }
0x83: {  	_ =	shalt  }
0x84: {  	_ =	shalt  }
0x85: {  	_ =	shalt  }
0x86: {  	_ =	shalt  }
0x87: {  	_ =	shalt  }
.Lfunc_end0:
.L_simem_size_0:
called_computation.2_lowered:
.L_overlay_start_0:
0x88: {  	s2 =	sld [smem:$0x3FD9]  }
0x89: {  	s3 =	sld [smem:$0x3FFE];
	_ =	sdelay $0x1  }
0x8a: {  	s1 =	srdreg.scid  }
0x8b: {  	s0 =	sand.u32 $0x1, s1  }
0x8c: {  	s14 =	sshll.u32 s0, $0xA;
	s2 =	sadd.s32 s3, s2  }
0x8d: {  	s2 =	sadd.s32 s2, s14  }
0x8e: {  	[smem:$0x3FBD] =	sst s2  }
0x8f: {  	_ = 	snop  }
0x90: {  	s2 =	sld [smem:$0x3FD0];
	_ =	sdelay $0x2  }
0x91: {  	s15 =	simm.s32 $0xB;
	s4 =	simm.s32 $0x10  }
0x92: {  	[smem:s4], [sflag:s15] =	dma.local [hbm:s2], $0x1  }
0x93: {  	_ =	swait.eq [sflag:s15], $0x1  }
0x94: {  	[sflag:s15] =	ssyncset.done $0x0  }
0x95: {  	s16 =	sld [smem:$0x10];
	[sflag:s15] =	ssyncadd.s32 $0xFFFFFFFF  }
0x96: {  	s17 =	sld [smem:$0x11];
	(tm) =	ssettm $0x1  }
0x97: {  	s18 =	sld [smem:$0x3FFB];
	_ =	sdelay $0x3  }
0x98: {  	_ =	strace s18  }
0x99: {  	s4 =	sld [smem:$0x3FFC];
	_ =	sdelay $0x3  }
0x9a: {  	_ =	strace s4  }
0x9b: {  	s4 =	sld [smem:$0x3FFD];
	_ =	sdelay $0x3  }
0x9c: {  	_ =	strace s4  }
0x9d: {  	_ =	strace $0x8FFFFFFF  }
0x9e: {  	s19 =	sld [smem:$0x3FDB];
	_ =	sdelay $0x1  }
0x9f: {  	s5 =	simm.s32 $_scs_section_size  }
0xa0: {  	s6 =	simm.s32 $_size__tile_overlayer_lowered;
	s7 =	simm.s32 $_tile_overlayer_lowered  }
0xa1: {  	s22 =	simm.s32 $0x1BFF;
	s21 =	sshll.u32 s7, $0x1;
	s4 =	sadd.s32 s5, s19  }
0xa2: {  	s8 =	simm.s32 $0x0;
	s20 =	sshll.u32 s6, $0x1;
	s6 =	sadd.s32 s21, s4  }
0xa3: {  	[timem:s8], [sflag:s22] =	dma.local [hbm:s6], s20  }
0xa4: {  	_ =	swait.ge [sflag:s22], s20  }
0xa5: {  	s5 =	ssub.s32 $0x0, s20;
	[sflag:s22] =	ssyncset.done $0x0  }
0xa6: {  	[sflag:s22] =	ssyncadd.s32 s5;
	_ =	sdelay $0x1  }
0xa7: {  	s23 =	simm.s32 $0x1B8B  }
0xa8: {  	_ =	swait.ge [sflag:s23], $0x1  }
0xa9: {  	[sflag:s23] =	ssyncset.done $0x0  }
0xaa: {  	s25 =	simm.s32 $0x1B8E;
	s24 =	sld [smem:$0x3FFE];
	[sflag:s23] =	ssyncadd.s32 $0xFFFFFFFF  }
0xab: {  	s26 =	simm.s32 $execute0_lowered;
	[smem:$0x3FD2] =	sst s25  }
0xac: {  	s6 =	sshll.u32 s26, $0x1;
	_ =	strace $0x80000046;
	[dreg:$0x1] =	wrdreg $0xFFFFFFFF  }
0xad: {  	s28 =	simm.s32 $_size_execute0_lowered;
	s4 =	sadd.s32 s4, s6;
	[dreg:$0x0] =	wrdreg $0x0  }
0xae: {  	s6 =	sshll.u32 s28, $0x1;
	[dreg:$0x2] =	wrdreg s4  }
0xaf: {  	[dreg:$0x3] =	wrdreg s6  }
0xb0: {  	[dreg:$0x4] =	wrdreg $0xC0  }
0xb1: {  	_ =	task [dreg:s8], $0x5FFFF  }
0xb2: {  	[dreg:$0x1] =	wrdreg $0xFFFFFFFF  }
0xb3: {  	[dreg:$0x0] =	wrdreg $0x60  }
0xb4: {  	[dreg:$0x2] =	wrdreg s17  }
0xb5: {  	[dreg:$0x3] =	wrdreg s24  }
0xb6: {  	[dreg:$0x4] =	wrdreg s16  }
0xb7: {  	[dreg:$0x5] =	wrdreg $0x140000  }
0xb8: {  	[dreg:$0x6] =	wrdreg $0x9  }
0xb9: {  	_ =	task.clear_ibuf [dreg:s8], $0x7FFFF;
	_ =	strace $0x90000046  }
0xba: {  	s29 =	simm.s32 $0x9;
	_ =	strace $0x80000048  }
0xbb: {  	_ =	swait.ge [sflag:s29], $0x1  }
0xbc: {  	[sflag:s29] =	ssyncadd.s32 $0xFFFFFFFF  }
0xbd: {  	_ =	strace $0x90000048  }
0xbe: {  	_ =	sfence  }
0xbf: {  	s30 =	sld [smem:$0x0];
	_ =	sdelay $0x2  }
0xc0: {  	s31 =	sshll.u32 s1, $0xD;
	s1 =	sshrl.u32 s1, $0x2  }
0xc1: {  	s3 =	sand.u32 $0x4000, s31;
	s1 =	sadd.s32 s1, s30  }
0xc2: {  	s0 =	sor.u32 s3, s0;
	s1 =	sshll.u32 s1, $0x11  }
0xc3: {  	s0 =	sor.u32 s1, s0  }
0xc4: {  	s0 =	sadd.s32 $0x8F2B, s0  }
0xc5: {  	[sflag:s0] =	ssyncadd.remote.s32 $0x1  }
0xc6: {  	_ =	sfence.sel $0xFFFF  }
0xc7: {  	[dreg:$0x0] =	wrdreg $0xFFFFFFFF;
	(pc) =	sbr.abs _section_cstart, $3  }
0xc8: {  	[dreg:$0x1] =	wrdreg $0xFFFFFFFF  }
0xc9: {  	_ =	task.clear_ibuf [dreg:s8], $0x2FFFF;
	_ =	strace $0x9FFFFFFF  }
0xca: {  	(tm) =	ssettm $0x7FFFFFFF  }
0xcb: {  	_ =	shalt  }
tec
execute0_lowered:
.L_overlay_start_1:
0x0: {  	(tag) =	ssettag $0x1  }
0x1: {  	s7 =	rddreg [dreg:$0x0]  }
0x2: {  	s4 =	rddreg [dreg:$0x1]  }
0x3: {  	s10 =	rddreg [dreg:$0x2]  }
0x4: {  	s1 =	rddreg [dreg:$0x3]  }
0x5: {  	s0 =	rddreg [dreg:$0x4]  }
0x6: {  	s3 =	simm.s32 $0x0;
	s5 =	srdreg.scid;
	s2 =	stileid.u32  }
0x7: {  	s16 =	simm.s32 $0x0;
	[smem:$0x7FF] =	sst s3;
	s8 =	sand.u32 $0x1, s5  }
0x8: {  	s9 =	sadd.s32 $0x1E00, s4;
	s6 =	sshll.u32 s2, $0xB;
	s12 =	sshll.u32 s2, $0x10  }
0x9: {  	s13 =	sshll.u32 s2, $0x6;
	s29 =	sshll.u32 s2, $0xE;
	s30 =	sshll.u32 s2, $0xA  }
0xa: {  	_ =	strace $0x80000047;
	s5 =	ssub.s32 $0x2, s8;
	s4 =	sadd.s32 s6, s4  }
0xb: {  	s28 =	sshrl.u32 s12, $0x2;
	s6 =	sadd.s32 s9, s6;
	s15 =	sshll.u32 s8, $0x14  }
0xc: {  	s7 =	sadd.s32 s7, s29;
	s31 =	sshll.u32 s8, $0xE;
	s9 =	sadd.s32 s9, s30  }
0xd: {  	s11 =	sshrl.u32 s5, $0x1;
	s14 =	sadd.s32 s28, s1;
	s4 =	sadd.s32 $0x409E00, s4  }
0xe: {  	s12 =	sor.u32 s12, s15;
	s8 =	sadd.s32 $0x2000, s7;
	s9 =	sadd.s32 s31, s9  }
0xf: {  	s15 =	simm.s32 $0x4000;
	s11 =	ssub.s32 s5, s11;
	s12 =	sshrl.u32 s12, $0x3  }
0x10: {  	s5 =	sor.u32 $0x1C01, s13;
	s13 =	simm.s32 $0x1;
	s10 =	sadd.s32 s10, s12  }
0x11: {  	s11 =	smax.u32 s11, $0x1;
	s12 =	sshrl.u32 s14, $0x3;
	s14 =	simm.s32 $0x80  }
.LBB2_1:
0x12: {  	[spmem:s12], [sflag:s5] =	dma.local [hbm:s4], $0x800  }
0x13: {  	_ =	swait.ge [sflag:s13], $0x800  }
0x14: {  	[sflag:s13] =	ssyncset.done $0x0  }
0x15: {  	[sflag:s13] =	ssyncadd.s32 $0xFFFFF800  }
0x16: {  	[tilespmem:s3], [sflag:$0x1] =	stream.linear.gather [hbm4b:s6+s3], $0x4000, $0x38;
	[tilespmem:$0x18000] =	vst v63  }
0x17: {  	_ =	swait.ge [sflag:s13], $0x4000  }
0x18: {  	[sflag:s13] =	ssyncset.done $0x0  }
0x19: {  	[sflag:s13] =	ssyncadd.s32 $0xFFFFC000  }
0x1a: {  	[bflag:$0x0] =	sbarrier.arrive $0xFFFF  }
0x1b: {  	[tilespmem:s15], [sflag:$0x1] =	stream.linear.gather [hbm4b:s7+s3], $0x10000, $0x38;
	[tilespmem:$0x18000] =	vst v63  }
0x1c: {  	_ =	swait.ge [sflag:s13], $0x10000  }
0x1d: {  	[sflag:s13] =	ssyncset.done $0x0  }
0x1e: {  	s17 =	simm.s32 $0x0;
	[sflag:s13] =	ssyncadd.s32 $0xFFFF0000  }
0x1f: {  	[spmem:s1] =	stream.indirect.scatter.add.f32 [tilespmem:s15], [sflag:$0x1], $0x8, s17, s14, $0xb8;
	[tilespmem:$0x18000] =	vst v63  }
0x20: {  	_ =	swait.ge [sflag:s13], $0x400  }
0x21: {  	s18 =	simm.s32 $0x4000;
	s17 =	simm.s32 $0x200;
	[sflag:s13] =	ssyncset.done $0x0  }
.LBB2_2:
0x22: {  	s19 =	sshra.s32 s17, $0x2  }
0x23: {  	[sflag:s13] =	ssyncadd.s32 $0xFFFFFC00;
	s18 =	sadd.s32 $0x400, s18;
	p0 =	sne.s32 s17, $0x7E00  }
0x24: {  	[spmem:s1] =	stream.indirect.scatter.add.f32 [tilespmem:s18], [sflag:$0x1], $0x8, s19, s14, $0xb8;
	[tilespmem:$0x18000] =	vst v63  }
.Ltmp0:
0x25: {  	_ = 	snop;
	(pc) =	sbr.rel @p0 .LBB2_2-.Ltmp0, $4  }
0x26: {  	_ = 	snop  }
0x27: {  	s17 =	sadd.s32 $0x200, s17  }
0x28: {  	_ =	swait.ge [sflag:s13], $0x400  }
0x29: {  	[sflag:s13] =	ssyncset.done $0x0  }
0x2a: {  	[sflag:s13] =	ssyncadd.s32 $0xFFFFFC00;
	s18 =	simm.s32 $0x0;
	s17 =	simm.s32 $0x4000  }
0x2b: {  	[tilespmem:s17], [sflag:$0x1] =	stream.linear.gather [hbm4b:s8+s18], $0x10000, $0x38;
	[tilespmem:$0x18000] =	vst v63  }
0x2c: {  	_ =	swait.ge [sflag:s13], $0x10000  }
0x2d: {  	[sflag:s13] =	ssyncset.done $0x0  }
0x2e: {  	s31 =	simm.s32 $0x2000;
	[sflag:s13] =	ssyncadd.s32 $0xFFFF0000  }
0x2f: {  	[spmem:s1] =	stream.indirect.scatter.add.f32 [tilespmem:s17], [sflag:$0x1], $0x8, s31, s14, $0xb8;
	[tilespmem:$0x18000] =	vst v63  }
0x30: {  	s18 =	simm.s32 $0x200;
	_ =	swait.ge [sflag:s13], $0x400  }
.LBB2_4:
0x31: {  	s19 =	sshra.s32 s18, $0x2  }
0x32: {  	[sflag:s13] =	ssyncset.done $0x0;
	s17 =	sadd.s32 $0x400, s17;
	p0 =	sne.s32 s18, $0x7E00  }
.Ltmp1:
0x33: {  	s19 =	sadd.s32 $0x2000, s19;
	[sflag:s13] =	ssyncadd.s32 $0xFFFFFC00;
	(pc) =	sbr.rel @p0 .LBB2_4-.Ltmp1, $3  }
0x34: {  	[spmem:s1] =	stream.indirect.scatter.add.f32 [tilespmem:s17], [sflag:$0x1], $0x8, s19, s14, $0xb8;
	[tilespmem:$0x18000] =	vst v63  }
0x35: {  	s18 =	sadd.s32 $0x200, s18;
	_ =	sdelay $0x1  }
0x36: {  	_ =	swait.ge [sflag:s13], $0x400  }
0x37: {  	[sflag:s13] =	ssyncset.done $0x0  }
0x38: {  	[sflag:s13] =	ssyncadd.s32 $0xFFFFFC00  }
0x39: {  	s17 =	simm.s32 $0x0;
	[bflag:$0x0] =	sbarrier.arrive $0xFFFF  }
0x3a: {  	[tilespmem:s17], [sflag:$0x1] =	stream.linear.gather [hbm4b:s9+s17], $0x2000, $0x38;
	[tilespmem:$0x18000] =	vst v63  }
0x3b: {  	_ =	swait.ge [sflag:s13], $0x2000  }
0x3c: {  	[sflag:s13] =	ssyncset.done $0x0  }
0x3d: {  	s18 =	simm.s32 $0x0;
	s17 =	simm.s32 $0x4000;
	[sflag:s13] =	ssyncadd.s32 $0xFFFFE000  }
0x3e: {  	[tilespmem:s17], [sflag:$0x1] =	stream.indirect.gather [spmem:s1], $0x8, s18, s14, $0xb8;
	[tilespmem:$0x18000] =	vst v63  }
0x3f: {  	_ =	swait.ge [sflag:s13], $0x400  }
0x40: {  	s18 =	simm.s32 $0x200;
	[sflag:s13] =	ssyncset.done $0x0  }
.LBB2_6:
0x41: {  	s19 =	sshra.s32 s18, $0x2  }
0x42: {  	[sflag:s13] =	ssyncadd.s32 $0xFFFFFC00;
	s17 =	sadd.s32 $0x400, s17;
	p0 =	sne.s32 s18, $0x7E00  }
0x43: {  	[tilespmem:s17], [sflag:$0x1] =	stream.indirect.gather [spmem:s1], $0x8, s19, s14, $0xb8;
	[tilespmem:$0x18000] =	vst v63  }
.Ltmp2:
0x44: {  	_ = 	snop;
	(pc) =	sbr.rel @p0 .LBB2_6-.Ltmp2, $4  }
0x45: {  	_ = 	snop  }
0x46: {  	s18 =	sadd.s32 $0x200, s18  }
0x47: {  	_ =	swait.ge [sflag:s13], $0x400  }
0x48: {  	[sflag:s13] =	ssyncset.done $0x0  }
0x49: {  	s16 =	sadd.s32 $0x1, s16  }
0x4a: {  	p0 =	sne.s32 s16, s11  }
.Ltmp3:
0x4b: {  	[sflag:s13] =	ssyncadd.s32 $0xFFFFFC00;
	(pc) =	sbr.rel @p0 .LBB2_1-.Ltmp3, $4  }
0x4c: {  	[hbm4b:s10+s3] =	stream.linear.scatter [tilespmem:s15], [sflag:$0x1], $0x10000, $0x38;
	[tilespmem:$0x18000] =	vst v63  }
0x4d: {  	_ =	swait.ge [sflag:s13], $0x10000  }
0x4e: {  	[sflag:s13] =	ssyncset.done $0x0  }
0x4f: {  	[sflag:s13] =	ssyncadd.s32 $0xFFFF0000  }
0x50: {  	_ =	sfence.sel $0x180000  }
0x51: {  	[bflag:$0x0] =	sbarrier.arrive $0xFFFF  }
0x52: {  	p0 =	sne.s32 s2, $0x0;
	_ =	strace $0x90000047  }
0x53: {  	s0 =	sadd.s32 @!p0 $0x100000, s0;
	[bflag:$0x2] =	sbarrier.arrive $0xFFFF  }
0x54: {  	[sflag:s0] =	ssyncadd.tile.s32 @!p0 $0x1;
	_ =	shalt  }
.Lfunc_end2:
_tile_overlayer_lowered:
.L_overlay_start_2:
0x55: {  	(tag) =	ssettag $0x2  }
0x56: {  	s0 =	rddreg [dreg:$0x0];
	s2 =	stileid.u32  }
0x57: {  	s1 =	rddreg [dreg:$0x1];
	p0 =	sne.s32 s2, $0x0  }
0x58: {  	s3 =	rddreg [dreg:$0x2];
	[bflag:$0x3] =	sbarrier.arrive $0xFFFF;
	s2 =	simm.s32 @!p0 $0x1C01  }
0x59: {  	[timem:s3], [sflag:s2] =	dma.local @!p0 [hbm:s0], s1  }
0x5a: {  	s0 =	simm.s32 @!p0 $0x1  }
0x5b: {  	_ =	swait.ge @!p0 [sflag:s0], s1  }
0x5c: {  	s1 =	ssub.s32 @!p0 $0x0, s1;
	[sflag:s0] =	ssyncset.done @!p0 $0x0  }
0x5d: {  	[sflag:s0] =	ssyncadd.s32 @!p0 s1  }
0x5e: {  	[bflag:$0x3] =	sbarrier.arrive $0xFFFF  }
0x5f: {  	_ =	shalt  }

// kernel: sparse-core-data-format-call.1.cloned.1.call-start
scs
called_computation.1_lowered:
.L_overlay_start_0:
0x0: {  	s2 =	sld [smem:$0x3FD9]  }
0x1: {  	s3 =	sld [smem:$0x3FFE];
	_ =	sdelay $0x1  }
0x2: {  	s1 =	srdreg.scid  }
0x3: {  	s0 =	sand.u32 $0x1, s1  }
0x4: {  	s16 =	sshll.u32 s0, $0xA;
	s2 =	sadd.s32 s3, s2  }
0x5: {  	s2 =	sadd.s32 s2, s16  }
0x6: {  	[smem:$0x3FBD] =	sst s2  }
0x7: {  	_ = 	snop  }
0x8: {  	s2 =	sld [smem:$0x3FD0];
	_ =	sdelay $0x2  }
0x9: {  	s17 =	simm.s32 $0xB;
	s4 =	simm.s32 $0x10  }
0xa: {  	[smem:s4], [sflag:s17] =	dma.local [hbm:s2], $0x1  }
0xb: {  	_ =	swait.eq [sflag:s17], $0x1  }
0xc: {  	[sflag:s17] =	ssyncset.done $0x0  }
0xd: {  	[sflag:s17] =	ssyncadd.s32 $0xFFFFFFFF  }
0xe: {  	s18 =	sld [smem:$0x10];
	(tm) =	ssettm $0x1  }
0xf: {  	s19 =	sld [smem:$0x3FFB];
	_ =	sdelay $0x3  }
0x10: {  	_ =	strace s19  }
0x11: {  	s2 =	sld [smem:$0x3FFC];
	_ =	sdelay $0x3  }
0x12: {  	_ =	strace s2  }
0x13: {  	s2 =	sld [smem:$0x3FFD];
	_ =	sdelay $0x3  }
0x14: {  	_ =	strace s2  }
0x15: {  	_ =	strace $0x8FFFFFFF  }
0x16: {  	s20 =	sld [smem:$0x3FDB];
	_ =	sdelay $0x1  }
0x17: {  	s21 =	simm.s32 $_scs_section_size  }
0x18: {  	s5 =	simm.s32 $_size__tile_overlayer_lowered;
	s6 =	simm.s32 $_tile_overlayer_lowered  }
0x19: {  	s7 =	simm.s32 $0x1BFF;
	s22 =	sshll.u32 s6, $0x1;
	s4 =	sadd.s32 s21, s20  }
0x1a: {  	s23 =	simm.s32 $0x0;
	s5 =	sshll.u32 s5, $0x1;
	s6 =	sadd.s32 s22, s4  }
0x1b: {  	[timem:s23], [sflag:s7] =	dma.local [hbm:s6], s5  }
0x1c: {  	_ =	swait.ge [sflag:s7], s5  }
0x1d: {  	s5 =	ssub.s32 $0x0, s5;
	[sflag:s7] =	ssyncset.done $0x0  }
0x1e: {  	[sflag:s7] =	ssyncadd.s32 s5;
	_ =	sdelay $0x1  }
0x1f: {  	s24 =	simm.s32 $0x1B8B  }
0x20: {  	_ =	swait.ge [sflag:s24], $0x1  }
0x21: {  	[sflag:s24] =	ssyncset.done $0x0  }
0x22: {  	[sflag:s24] =	ssyncadd.s32 $0xFFFFFFFF  }
0x23: {  	s5 =	sld [smem:$0x0]  }
0x24: {  	s6 =	sand.u32 $0xFFFFFFFE, s1  }
0x25: {  	p0 =	sne.s32 s1, s6  }
0x26: {  	s6 =	sshll.u32 @p0 s6, $0xE  }
0x27: {  	s6 =	sadd.s32 @p0 $0x11B8D, s6;
	s7 =	sshll.u32 @p0 s5, $0x11  }
0x28: {  	s6 =	sor.u32 @p0 s7, s6  }
0x29: {  	[sflag:s6] =	ssyncadd.remote.s32 @p0 $0x1;
	_ =	sdelay $0x1  }
0x2a: {  	s6 =	simm.s32 @p0 $0x1B8D  }
0x2b: {  	_ =	swait.eq @p0 [sflag:s6], $0x1  }
0x2c: {  	[sflag:s6] =	ssyncadd.s32 @p0 $0xFFFFFFFF  }
0x2d: {  	s7 =	sshll.u32 @!p0 s1, $0xE  }
0x2e: {  	s7 =	sor.u32 @!p0 $0x4000, s7;
	s6 =	simm.s32 @!p0 $0x1B8D  }
0x2f: {  	s5 =	sshll.u32 @!p0 s5, $0x11;
	s7 =	sadd.s32 @!p0 $0x11B8D, s7;
	_ =	swait.eq @!p0 [sflag:s6], $0x1  }
0x30: {  	s5 =	sor.u32 @!p0 s5, s7;
	[sflag:s6] =	ssyncadd.s32 @!p0 $0xFFFFFFFF  }
0x31: {  	s26 =	simm.s32 $0x1B8E;
	s25 =	sld [smem:$0x3FFE];
	[sflag:s5] =	ssyncadd.remote.s32 @!p0 $0x1  }
0x32: {  	s27 =	simm.s32 $execute0_lowered;
	[smem:$0x3FD2] =	sst s26  }
0x33: {  	s6 =	sshll.u32 s27, $0x1;
	_ =	strace $0x8000004C;
	[dreg:$0x1] =	wrdreg $0xFFFFFFFF  }
0x34: {  	s28 =	simm.s32 $_size_execute0_lowered;
	s4 =	sadd.s32 s4, s6;
	[dreg:$0x0] =	wrdreg $0x0  }
0x35: {  	s6 =	sshll.u32 s28, $0x1;
	[dreg:$0x2] =	wrdreg s4  }
0x36: {  	[dreg:$0x3] =	wrdreg s6  }
0x37: {  	[dreg:$0x4] =	wrdreg $0xC0  }
0x38: {  	_ =	task [dreg:s23], $0x5FFFF  }
0x39: {  	[dreg:$0x1] =	wrdreg $0xFFFFFFFF  }
0x3a: {  	[dreg:$0x0] =	wrdreg $0x60  }
0x3b: {  	[dreg:$0x2] =	wrdreg s25  }
0x3c: {  	[dreg:$0x3] =	wrdreg s18  }
0x3d: {  	[dreg:$0x4] =	wrdreg $0xA  }
0x3e: {  	_ =	task.clear_ibuf [dreg:s23], $0x5FFFF;
	_ =	strace $0x9000004C  }
0x3f: {  	s29 =	simm.s32 $0xA;
	_ =	strace $0x8000004E  }
0x40: {  	_ =	swait.ge [sflag:s29], $0x1  }
0x41: {  	[sflag:s29] =	ssyncadd.s32 $0xFFFFFFFF  }
0x42: {  	_ =	strace $0x9000004E  }
0x43: {  	_ =	sfence  }
0x44: {  	s30 =	sld [smem:$0x0];
	_ =	sdelay $0x2  }
0x45: {  	s31 =	sshll.u32 s1, $0xD;
	s1 =	sshrl.u32 s1, $0x2  }
0x46: {  	s4 =	sand.u32 $0x4000, s31;
	s1 =	sadd.s32 s1, s30  }
0x47: {  	s0 =	sor.u32 s4, s0;
	s1 =	sshll.u32 s1, $0x11  }
0x48: {  	s0 =	sor.u32 s1, s0  }
0x49: {  	s0 =	sadd.s32 $0x8F2B, s0  }
0x4a: {  	[sflag:s0] =	ssyncadd.remote.s32 $0x1  }
0x4b: {  	_ =	sfence.sel $0xFFFF  }
0x4c: {  	[dreg:$0x0] =	wrdreg $0xFFFFFFFF;
	(pc) =	sbr.abs _section_cstart, $3  }
0x4d: {  	[dreg:$0x1] =	wrdreg $0xFFFFFFFF  }
0x4e: {  	_ =	task.clear_ibuf [dreg:s23], $0x2FFFF;
	_ =	strace $0x9FFFFFFF  }
0x4f: {  	(tm) =	ssettm $0x7FFFFFFF  }
tec
execute0_lowered:
.L_overlay_start_1:
0x0: {  	(tag) =	ssettag $0x1  }
0x1: {  	s0 =	stileid.u32  }
0x2: {  	s1 =	srdreg.scid;
	s8 =	rddreg [dreg:$0x0];
	s31 =	simm.s32 $0x2  }
0x3: {  	s14 =	simm.s32 $0x0;
	s15 =	simm.s32 $0x0;
	s13 =	simm.s32 $0x0  }
0x4: {  	s2 =	sshll.u32 s0, $0x6;
	s1 =	sshll.u32 s1, $0xA;
	s3 =	sshll.u32 s0, $0x1  }
0x5: {  	s1 =	sor.u32 s2, s1;
	s2 =	rddreg [dreg:$0x1];
	s3 =	sand.u32 $0x2, s3  }
0x6: {  	s4 =	sand.u32 $0x780, s1;
	s1 =	rddreg [dreg:$0x2];
	s5 =	ssub.s32 $0x4, s3  }
0x7: {  	_ =	strace $0x8000004D;
	s12 =	smov.u32 s3;
	s6 =	ssub.s32 $0x10000, s4  }
0x8: {  	s7 =	sshrl.u32 s5, $0x2;
	s5 =	sshrl.u32 s5, $0x1;
	s9 =	sand.u32 $0x780, s6  }
0x9: {  	s10 =	sand.u32 $0x1, s5;
	p0 =	sne.s32 s9, $0x0;
	s9 =	simm.s32 $0x1  }
.Ltmp0:
0xa: {  	s6 =	sshrl.u32 s6, $0xB;
	s9 =	simm.s32 @!p0 $0x0;
	(pc) =	sbr.rel .LBB1_1-.Ltmp0, $4  }
0xb: {  	s5 =	simm.s32 $0x1;
	s7 =	sadd.s32 s7, s10;
	s6 =	sadd.s32 s9, s6  }
0xc: {  	s11 =	smov.u32 s4;
	[sflag:s5] =	ssyncpa.u1 $0x0;
	s6 =	smul.u32 s7, s6  }
0xd: {  	s10 =	simm.s32 $0x80000;
	[sflag:s31] =	ssyncpa.u1 $0x0;
	p0 =	por $0x0, $0x0  }
0xe: {  	s7 =	sadd.s32 $0x1011E00, s8;
	s8 =	sadd.s32 $0x1111E00, s8;
	s9 =	sadd.s32 $0x1, s6  }
.LBB1_7:
0xf: {  	s16 =	sadd.s32 $0x800, s11  }
0x10: {  	s14 =	sadd.s32 $0x4, s12;
	s18 =	smov.u32 s12;
	p2 =	sgt.s32 s16, $0xFFFF  }
0x11: {  	s18 =	smov.u32 @p2 s14  }
0x12: {  	s16 =	smov.u32 @p2 s4;
	p2 =	sgt.s32 s18, $0x3  }
0x13: {  	s18 =	smov.u32 @p2 s3;
	p2 =	sne.s32 s13, s9  }
.Ltmp1:
0x14: {  	p1 =	slt.u32 s13, $0x2;
	(pc) =	sbr.rel @!p2 .LBB1_8-.Ltmp1, $4  }
0x15: {  	s17 =	simm.s32 @!p1 $0x2  }
0x16: {  	s15 =	smov.u32 s12;
	p0 =	por !p0, !p0;
	_ =	swait.ge @!p1 [sflag:s17], $0x4000  }
0x17: {  	s14 =	smov.u32 s11;
	[sflag:s17] =	ssyncset.done @!p1 $0x0;
	s11 =	smov.u32 s16  }
0x18: {  	s13 =	sadd.s32 $0x1, s13;
	[sflag:s17] =	ssyncadd.s32 @!p1 $0xFFFFC000;
	s12 =	smov.u32 s18  }
.LBB1_1:
0x19: {  	p1 =	sge.u32 s13, s6  }
0x1a: {  	s16 =	sxor.u32 @!p1 $0xFFFFFFFF, s13;
	s17 =	sshll.u32 @!p1 s12, $0x14  }
0x1b: {  	s18 =	sshll.u32 @!p1 s11, $0x4;
	s20 =	simm.s32 @!p1 $0x40;
	s21 =	simm.s32 @!p1 $0x80  }
0x1c: {  	s16 =	sshll.u32 @!p1 s16, $0xE;
	s18 =	sand.u32 @!p1 $0xFFFF0, s18;
	s19 =	sadd.s32 @!p1 s7, s17  }
0x1d: {  	s17 =	sadd.s32 @!p1 s17, s8;
	s16 =	sand.u32 @!p1 $0x4000, s16;
	s19 =	sadd.s32 @!p1 s18, s19  }
0x1e: {  	[tilespmem:s16], [sflag:$0x1] =	stream.strided.gather @!p1 [hbm4b:s19+s20], $0x2000, s21, s20, $0x38;
	[tilespmem:$0x10100] =	vst v63  }
0x1f: {  	s31 =	sadd.s32 $0xFFFFFFFF, s13;
	s17 =	sadd.s32 @!p1 s18, s17;
	s16 =	sor.u32 @!p1 $0x2000, s16  }
0x20: {  	[tilespmem:s16], [sflag:$0x1] =	stream.strided.gather @!p1 [hbm4b:s17+s20], $0x2000, s21, s20, $0x38;
	[tilespmem:$0x10100] =	vst v63  }
0x21: {  	p1 =	sge.u32 s31, s6  }
.Ltmp2:
0x22: {  	_ = 	snop;
	(pc) =	sbr.rel @p1 .LBB1_7-.Ltmp2, $1  }
0x23: {  	_ =	sdelay $0x3  }
0x24: {  	s16 =	simm.s32 $0x1;
	s18 =	sand.u32 $0x1, s13  }
0x25: {  	_ =	swait.ge [sflag:s5], $0x4000;
	s16 =	simm.s32 @!p0 $0x0;
	s18 =	smul.u32 $0x10200, s18  }
0x26: {  	p2 =	por $0x1, $0x1;
	[sflag:s5] =	ssyncset.done $0x0;
	s17 =	smul.u32 $0x10200, s16  }
0x27: {  	s19 =	sshll.u32 s16, $0x10;
	[sflag:s5] =	ssyncadd.s32 $0xFFFFC000;
	s30 =	sshrl.u32 s18, $0x2  }
0x28: {  	s31 =	sshrl.u32 s19, $0x2;
	s19 =	simm.s32 $0x0;
	s17 =	sshrl.u32 s17, $0x2  }
0x29: {  	s16 =	sor.u32 $0x8000, s30;
	s18 =	sadd.s32 $0x20, s31;
	s17 =	sor.u32 $0x8000, s17  }
.LBB1_3:
0x2a: {  	s20 =	sshll.u32 s19, $0xD  }
0x2b: {  	s20 =	sand.u32 $0x3FFFE000, s20  }
0x2c: {  	s22 =	sadd.s32 s20, s18  }
0x2d: {  	s31 =	smul.u32 $0x8100, s19;
	v3 =	vld [tilespmem:s22+$0x10]  }
0x2e: {  	v1 =	vld [tilespmem:s22+$0xFFFFFFF0]  }
0x2f: {  	s19 =	sshra.s32 s31, $0x2;
	v0 =	vld [tilespmem:s22+$0x0]  }
0x30: {  	s19 =	sadd.s32 s19, s17;
	v2 =	vld [tilespmem:s22+$0xFFFFFFE0]  }
0x31: {  	s20 =	sadd.s32 $0x0, s19  }
0x32: {  	p1 =	por p2, p2;
	s21 =	simm.s32 $0x4;
	s22 =	sadd.s32 $0x40, s22;
	[tilespmem:s20+$0x1830 ss:$0x81] =	vst.msk $0xffff, v3  }
.LBB1_4:
0x33: {  	v3 =	vld [tilespmem:s22+$0x10];
	p2 =	sne.s32 s21, $0x1FC;
	[tilespmem:s20+$0x810 ss:$0x81] =	vst.msk $0xffff, v1;
	s23 =	smov.u32 s21;
	s21 =	sadd.s32 $0x4, s21  }
.Ltmp3:
0x34: {  	v1 =	vld [tilespmem:s22+$0xFFFFFFF0];
	[tilespmem:s20+$0x1020 ss:$0x81] =	vst.msk $0xffff, v0;
	(pc) =	sbr.rel @p2 .LBB1_4-.Ltmp3, $4  }
0x35: {  	v0 =	vld [tilespmem:s22+$0x0];
	[tilespmem:s20+$0x0 ss:$0x81] =	vst.msk $0xffff, v2  }
0x36: {  	s20 =	sshra.s32 s23, $0x2;
	v2 =	vld [tilespmem:s22+$0xFFFFFFE0]  }
0x37: {  	s20 =	sadd.s32 s20, s19  }
0x38: {  	s22 =	sadd.s32 $0x40, s22;
	[tilespmem:s20+$0x1830 ss:$0x81] =	vst.msk $0xffff, v3  }
.Ltmp4:
0x39: {  	(pc) =	sbr.rel @p1 .LBB1_3-.Ltmp4, $4  }
0x3a: {  	_ = 	snop  }
0x3b: {  	[tilespmem:s20+$0x810 ss:$0x81] =	vst.msk $0xffff, v1  }
0x3c: {  	[tilespmem:s20+$0x1020 ss:$0x81] =	vst.msk $0xffff, v0  }
0x3d: {  	s19 =	simm.s32 $0x1;
	p2 =	por $0x0, $0x0;
	[tilespmem:s20+$0x0 ss:$0x81] =	vst.msk $0xffff, v2  }
0x3e: {  	s17 =	sshll.u32 s14, $0x3;
	s18 =	sand.u32 $0x78, s14;
	s15 =	sshll.u32 s15, $0x13  }
.Ltmp5:
0x3f: {  	s30 =	sand.u32 $0x7E000, s14;
	s17 =	sand.u32 $0xFC00, s17;
	(pc) =	sbr.rel .LBB1_7-.Ltmp5, $4  }
0x40: {  	s31 =	sand.u32 $0x7, s14;
	s15 =	sadd.s32 s2, s15;
	s17 =	sor.u32 s18, s17  }
0x41: {  	s14 =	sshll.u32 s31, $0x12;
	s15 =	sadd.s32 s30, s15;
	s17 =	sshrl.u32 s17, $0x3  }
0x42: {  	s14 =	sor.u32 $0x400, s14;
	s15 =	sadd.s32 s17, s15  }
0x43: {  	[hbm4b:s15+s14] =	stream.strided.scatter [tilespmem:s16], [sflag:$0x2], $0x4000, s10, s14, $0x20;
	[tilespmem:$0x10100] =	vst v63  }
.LBB1_8:
0x44: {  	_ =	sfence.sel $0x180000  }
0x45: {  	s2 =	simm.s32 $0x1;
	[bflag:$0x0] =	sbarrier.arrive $0xFFFF  }
0x46: {  	s31 =	simm.s32 $0x2;
	[sflag:s2] =	ssyncpa.u1 $0x1  }
0x47: {  	[sflag:s31] =	ssyncpa.u1 $0x1  }
0x48: {  	p0 =	sne.s32 s0, $0x0;
	_ =	strace $0x9000004D  }
0x49: {  	s0 =	sadd.s32 @!p0 $0x100000, s1;
	[bflag:$0x2] =	sbarrier.arrive $0xFFFF  }
0x4a: {  	[sflag:s0] =	ssyncadd.tile.s32 @!p0 $0x1;
	_ =	shalt  }
.Lfunc_end1:
_tile_overlayer_lowered:
.L_overlay_start_2:
0x4b: {  	(tag) =	ssettag $0x2  }
0x4c: {  	s0 =	rddreg [dreg:$0x0];
	s2 =	stileid.u32  }
0x4d: {  	s1 =	rddreg [dreg:$0x1];
	p0 =	sne.s32 s2, $0x0  }
0x4e: {  	s3 =	rddreg [dreg:$0x2];
	[bflag:$0x3] =	sbarrier.arrive $0xFFFF;
	s2 =	simm.s32 @!p0 $0x1C01  }
0x4f: {  	[timem:s3], [sflag:s2] =	dma.local @!p0 [hbm:s0], s1  }
0x50: {  	s0 =	simm.s32 @!p0 $0x1  }
0x51: {  	_ =	swait.ge @!p0 [sflag:s0], s1  }
0x52: {  	s1 =	ssub.s32 @!p0 $0x0, s1;
	[sflag:s0] =	ssyncset.done @!p0 $0x0  }
0x53: {  	[sflag:s0] =	ssyncadd.s32 @!p0 s1  }
0x54: {  	[bflag:$0x3] =	sbarrier.arrive $0xFFFF  }
0x55: {  	_ =	shalt  }

// kernel: sparse-core-data-format-call.cloned.1.call-start
scs
called_computation_lowered:
.L_overlay_start_0:
0x0: {  	s2 =	sld [smem:$0x3FD9]  }
0x1: {  	s3 =	sld [smem:$0x3FFE];
	_ =	sdelay $0x1  }
0x2: {  	s1 =	srdreg.scid  }
0x3: {  	s0 =	sand.u32 $0x1, s1  }
0x4: {  	s15 =	sshll.u32 s0, $0xA;
	s2 =	sadd.s32 s3, s2  }
0x5: {  	s2 =	sadd.s32 s2, s15  }
0x6: {  	[smem:$0x3FBD] =	sst s2  }
0x7: {  	_ = 	snop  }
0x8: {  	s2 =	sld [smem:$0x3FD0];
	_ =	sdelay $0x2  }
0x9: {  	s16 =	simm.s32 $0xB;
	s4 =	simm.s32 $0x10  }
0xa: {  	[smem:s4], [sflag:s16] =	dma.local [hbm:s2], $0x1  }
0xb: {  	_ =	swait.eq [sflag:s16], $0x1  }
0xc: {  	[sflag:s16] =	ssyncset.done $0x0  }
0xd: {  	[sflag:s16] =	ssyncadd.s32 $0xFFFFFFFF  }
0xe: {  	s17 =	sld [smem:$0x11];
	(tm) =	ssettm $0x1  }
0xf: {  	s18 =	sld [smem:$0x3FFB];
	_ =	sdelay $0x3  }
0x10: {  	_ =	strace s18  }
0x11: {  	s3 =	sld [smem:$0x3FFC];
	_ =	sdelay $0x3  }
0x12: {  	_ =	strace s3  }
0x13: {  	s3 =	sld [smem:$0x3FFD];
	_ =	sdelay $0x3  }
0x14: {  	_ =	strace s3  }
0x15: {  	_ =	strace $0x8FFFFFFF  }
0x16: {  	s19 =	sld [smem:$0x3FDB];
	_ =	sdelay $0x1  }
0x17: {  	s20 =	simm.s32 $_scs_section_size  }
0x18: {  	s5 =	simm.s32 $_size__tile_overlayer_lowered;
	s6 =	simm.s32 $_tile_overlayer_lowered  }
0x19: {  	s23 =	simm.s32 $0x1BFF;
	s22 =	sshll.u32 s6, $0x1;
	s3 =	sadd.s32 s20, s19  }
0x1a: {  	s7 =	simm.s32 $0x0;
	s21 =	sshll.u32 s5, $0x1;
	s5 =	sadd.s32 s22, s3  }
0x1b: {  	[timem:s7], [sflag:s23] =	dma.local [hbm:s5], s21  }
0x1c: {  	_ =	swait.ge [sflag:s23], s21  }
0x1d: {  	s4 =	ssub.s32 $0x0, s21;
	[sflag:s23] =	ssyncset.done $0x0  }
0x1e: {  	[sflag:s23] =	ssyncadd.s32 s4;
	_ =	sdelay $0x1  }
0x1f: {  	s24 =	simm.s32 $0x1B8B  }
0x20: {  	_ =	swait.ge [sflag:s24], $0x1  }
0x21: {  	[sflag:s24] =	ssyncset.done $0x0  }
0x22: {  	s26 =	simm.s32 $0x1B8E;
	s25 =	sld [smem:$0x3FFE];
	[sflag:s24] =	ssyncadd.s32 $0xFFFFFFFF  }
0x23: {  	s27 =	simm.s32 $execute0_lowered;
	[smem:$0x3FD2] =	sst s26  }
0x24: {  	s5 =	sshll.u32 s27, $0x1;
	_ =	strace $0x80000049;
	[dreg:$0x1] =	wrdreg $0xFFFFFFFF  }
0x25: {  	s28 =	simm.s32 $_size_execute0_lowered;
	s3 =	sadd.s32 s3, s5;
	[dreg:$0x0] =	wrdreg $0x0  }
0x26: {  	s5 =	sshll.u32 s28, $0x1;
	[dreg:$0x2] =	wrdreg s3  }
0x27: {  	[dreg:$0x3] =	wrdreg s5  }
0x28: {  	[dreg:$0x4] =	wrdreg $0xC0  }
0x29: {  	_ =	task [dreg:s7], $0x5FFFF  }
0x2a: {  	[dreg:$0x1] =	wrdreg $0xFFFFFFFF  }
0x2b: {  	[dreg:$0x0] =	wrdreg $0x60  }
0x2c: {  	[dreg:$0x2] =	wrdreg s25  }
0x2d: {  	[dreg:$0x3] =	wrdreg s17  }
0x2e: {  	[dreg:$0x4] =	wrdreg $0x9  }
0x2f: {  	_ =	task.clear_ibuf [dreg:s7], $0x5FFFF;
	_ =	strace $0x90000049  }
0x30: {  	s29 =	simm.s32 $0x9;
	_ =	strace $0x8000004B  }
0x31: {  	_ =	swait.ge [sflag:s29], $0x1  }
0x32: {  	[sflag:s29] =	ssyncadd.s32 $0xFFFFFFFF  }
0x33: {  	_ =	strace $0x9000004B  }
0x34: {  	_ =	sfence  }
0x35: {  	s30 =	sld [smem:$0x0];
	_ =	sdelay $0x2  }
0x36: {  	s31 =	sshll.u32 s1, $0xD;
	s1 =	sshrl.u32 s1, $0x2  }
0x37: {  	s3 =	sand.u32 $0x4000, s31;
	s1 =	sadd.s32 s1, s30  }
0x38: {  	s0 =	sor.u32 s3, s0;
	s1 =	sshll.u32 s1, $0x11  }
0x39: {  	s0 =	sor.u32 s1, s0  }
0x3a: {  	s0 =	sadd.s32 $0x8F2B, s0  }
0x3b: {  	[sflag:s0] =	ssyncadd.remote.s32 $0x1  }
0x3c: {  	_ =	sfence.sel $0xFFFF  }
0x3d: {  	[dreg:$0x0] =	wrdreg $0xFFFFFFFF;
	(pc) =	sbr.abs _section_cstart, $3  }
0x3e: {  	[dreg:$0x1] =	wrdreg $0xFFFFFFFF  }
0x3f: {  	_ =	task.clear_ibuf [dreg:s7], $0x2FFFF;
	_ =	strace $0x9FFFFFFF  }
0x40: {  	(tm) =	ssettm $0x7FFFFFFF  }
0x41: {  	_ =	shalt  }
tec
execute0_lowered:
.L_overlay_start_1:
0x0: {  	(tag) =	ssettag $0x1  }
0x1: {  	s0 =	stileid.u32  }
0x2: {  	s1 =	srdreg.scid;
	s8 =	rddreg [dreg:$0x0];
	s31 =	simm.s32 $0x2  }
0x3: {  	s14 =	simm.s32 $0x0;
	s15 =	simm.s32 $0x0;
	s13 =	simm.s32 $0x0  }
0x4: {  	s2 =	sshll.u32 s0, $0x6;
	s1 =	sshll.u32 s1, $0xA;
	s3 =	sshll.u32 s0, $0x1  }
0x5: {  	s1 =	sor.u32 s2, s1;
	s2 =	rddreg [dreg:$0x1];
	s3 =	sand.u32 $0x2, s3  }
0x6: {  	s4 =	sand.u32 $0x780, s1;
	s1 =	rddreg [dreg:$0x2];
	s5 =	ssub.s32 $0x4, s3  }
0x7: {  	_ =	strace $0x8000004A;
	s12 =	smov.u32 s3;
	s6 =	ssub.s32 $0x10000, s4  }
0x8: {  	s7 =	sshrl.u32 s5, $0x2;
	s5 =	sshrl.u32 s5, $0x1;
	s9 =	sand.u32 $0x780, s6  }
0x9: {  	s10 =	sand.u32 $0x1, s5;
	p0 =	sne.s32 s9, $0x0;
	s9 =	simm.s32 $0x1  }
.Ltmp0:
0xa: {  	s6 =	sshrl.u32 s6, $0xB;
	s9 =	simm.s32 @!p0 $0x0;
	(pc) =	sbr.rel .LBB1_1-.Ltmp0, $4  }
0xb: {  	s5 =	simm.s32 $0x1;
	s7 =	sadd.s32 s7, s10;
	s6 =	sadd.s32 s9, s6  }
0xc: {  	s11 =	smov.u32 s4;
	[sflag:s5] =	ssyncpa.u1 $0x0;
	s6 =	smul.u32 s7, s6  }
0xd: {  	s10 =	simm.s32 $0x80000;
	[sflag:s31] =	ssyncpa.u1 $0x0;
	p0 =	por $0x0, $0x0  }
0xe: {  	s7 =	sadd.s32 $0xC11E00, s8;
	s8 =	sadd.s32 $0xD11E00, s8;
	s9 =	sadd.s32 $0x1, s6  }
.LBB1_7:
0xf: {  	s16 =	sadd.s32 $0x800, s11  }
0x10: {  	s14 =	sadd.s32 $0x4, s12;
	s18 =	smov.u32 s12;
	p2 =	sgt.s32 s16, $0xFFFF  }
0x11: {  	s18 =	smov.u32 @p2 s14  }
0x12: {  	s16 =	smov.u32 @p2 s4;
	p2 =	sgt.s32 s18, $0x3  }
0x13: {  	s18 =	smov.u32 @p2 s3;
	p2 =	sne.s32 s13, s9  }
.Ltmp1:
0x14: {  	p1 =	slt.u32 s13, $0x2;
	(pc) =	sbr.rel @!p2 .LBB1_8-.Ltmp1, $4  }
0x15: {  	s17 =	simm.s32 @!p1 $0x2  }
0x16: {  	s15 =	smov.u32 s12;
	p0 =	por !p0, !p0;
	_ =	swait.ge @!p1 [sflag:s17], $0x4000  }
0x17: {  	s14 =	smov.u32 s11;
	[sflag:s17] =	ssyncset.done @!p1 $0x0;
	s11 =	smov.u32 s16  }
0x18: {  	s13 =	sadd.s32 $0x1, s13;
	[sflag:s17] =	ssyncadd.s32 @!p1 $0xFFFFC000;
	s12 =	smov.u32 s18  }
.LBB1_1:
0x19: {  	p1 =	sge.u32 s13, s6  }
0x1a: {  	s16 =	sxor.u32 @!p1 $0xFFFFFFFF, s13;
	s17 =	sshll.u32 @!p1 s12, $0x14  }
0x1b: {  	s18 =	sshll.u32 @!p1 s11, $0x4;
	s20 =	simm.s32 @!p1 $0x40;
	s21 =	simm.s32 @!p1 $0x80  }
0x1c: {  	s16 =	sshll.u32 @!p1 s16, $0xE;
	s18 =	sand.u32 @!p1 $0xFFFF0, s18;
	s19 =	sadd.s32 @!p1 s7, s17  }
0x1d: {  	s17 =	sadd.s32 @!p1 s17, s8;
	s16 =	sand.u32 @!p1 $0x4000, s16;
	s19 =	sadd.s32 @!p1 s18, s19  }
0x1e: {  	[tilespmem:s16], [sflag:$0x1] =	stream.strided.gather @!p1 [hbm4b:s19+s20], $0x2000, s21, s20, $0x38;
	[tilespmem:$0x10100] =	vst v63  }
0x1f: {  	s31 =	sadd.s32 $0xFFFFFFFF, s13;
	s17 =	sadd.s32 @!p1 s18, s17;
	s16 =	sor.u32 @!p1 $0x2000, s16  }
0x20: {  	[tilespmem:s16], [sflag:$0x1] =	stream.strided.gather @!p1 [hbm4b:s17+s20], $0x2000, s21, s20, $0x38;
	[tilespmem:$0x10100] =	vst v63  }
0x21: {  	p1 =	sge.u32 s31, s6  }
.Ltmp2:
0x22: {  	_ = 	snop;
	(pc) =	sbr.rel @p1 .LBB1_7-.Ltmp2, $1  }
0x23: {  	_ =	sdelay $0x3  }
0x24: {  	s16 =	simm.s32 $0x1;
	s18 =	sand.u32 $0x1, s13  }
0x25: {  	_ =	swait.ge [sflag:s5], $0x4000;
	s16 =	simm.s32 @!p0 $0x0;
	s18 =	smul.u32 $0x10200, s18  }
0x26: {  	p2 =	por $0x1, $0x1;
	[sflag:s5] =	ssyncset.done $0x0;
	s17 =	smul.u32 $0x10200, s16  }
0x27: {  	s19 =	sshll.u32 s16, $0x10;
	[sflag:s5] =	ssyncadd.s32 $0xFFFFC000;
	s30 =	sshrl.u32 s18, $0x2  }
0x28: {  	s31 =	sshrl.u32 s19, $0x2;
	s19 =	simm.s32 $0x0;
	s17 =	sshrl.u32 s17, $0x2  }
0x29: {  	s16 =	sor.u32 $0x8000, s30;
	s18 =	sadd.s32 $0x20, s31;
	s17 =	sor.u32 $0x8000, s17  }
.LBB1_3:
0x2a: {  	s20 =	sshll.u32 s19, $0xD  }
0x2b: {  	s20 =	sand.u32 $0x3FFFE000, s20  }
0x2c: {  	s22 =	sadd.s32 s20, s18  }
0x2d: {  	s31 =	smul.u32 $0x8100, s19;
	v3 =	vld [tilespmem:s22+$0x10]  }
0x2e: {  	v1 =	vld [tilespmem:s22+$0xFFFFFFF0]  }
0x2f: {  	s19 =	sshra.s32 s31, $0x2;
	v0 =	vld [tilespmem:s22+$0x0]  }
0x30: {  	s19 =	sadd.s32 s19, s17;
	v2 =	vld [tilespmem:s22+$0xFFFFFFE0]  }
0x31: {  	s20 =	sadd.s32 $0x0, s19  }
0x32: {  	p1 =	por p2, p2;
	s21 =	simm.s32 $0x4;
	s22 =	sadd.s32 $0x40, s22;
	[tilespmem:s20+$0x1830 ss:$0x81] =	vst.msk $0xffff, v3  }
.LBB1_4:
0x33: {  	v3 =	vld [tilespmem:s22+$0x10];
	p2 =	sne.s32 s21, $0x1FC;
	[tilespmem:s20+$0x810 ss:$0x81] =	vst.msk $0xffff, v1;
	s23 =	smov.u32 s21;
	s21 =	sadd.s32 $0x4, s21  }
.Ltmp3:
0x34: {  	v1 =	vld [tilespmem:s22+$0xFFFFFFF0];
	[tilespmem:s20+$0x1020 ss:$0x81] =	vst.msk $0xffff, v0;
	(pc) =	sbr.rel @p2 .LBB1_4-.Ltmp3, $4  }
0x35: {  	v0 =	vld [tilespmem:s22+$0x0];
	[tilespmem:s20+$0x0 ss:$0x81] =	vst.msk $0xffff, v2  }
0x36: {  	s20 =	sshra.s32 s23, $0x2;
	v2 =	vld [tilespmem:s22+$0xFFFFFFE0]  }
0x37: {  	s20 =	sadd.s32 s20, s19  }
0x38: {  	s22 =	sadd.s32 $0x40, s22;
	[tilespmem:s20+$0x1830 ss:$0x81] =	vst.msk $0xffff, v3  }
.Ltmp4:
0x39: {  	(pc) =	sbr.rel @p1 .LBB1_3-.Ltmp4, $4  }
0x3a: {  	_ = 	snop  }
0x3b: {  	[tilespmem:s20+$0x810 ss:$0x81] =	vst.msk $0xffff, v1  }
0x3c: {  	[tilespmem:s20+$0x1020 ss:$0x81] =	vst.msk $0xffff, v0  }
0x3d: {  	s19 =	simm.s32 $0x1;
	p2 =	por $0x0, $0x0;
	[tilespmem:s20+$0x0 ss:$0x81] =	vst.msk $0xffff, v2  }
0x3e: {  	s17 =	sshll.u32 s14, $0x3;
	s18 =	sand.u32 $0x78, s14;
	s15 =	sshll.u32 s15, $0x13  }
.Ltmp5:
0x3f: {  	s30 =	sand.u32 $0x7E000, s14;
	s17 =	sand.u32 $0xFC00, s17;
	(pc) =	sbr.rel .LBB1_7-.Ltmp5, $4  }
0x40: {  	s31 =	sand.u32 $0x7, s14;
	s15 =	sadd.s32 s2, s15;
	s17 =	sor.u32 s18, s17  }
0x41: {  	s14 =	sshll.u32 s31, $0x12;
	s15 =	sadd.s32 s30, s15;
	s17 =	sshrl.u32 s17, $0x3  }
0x42: {  	s14 =	sor.u32 $0x400, s14;
	s15 =	sadd.s32 s17, s15  }
0x43: {  	[hbm4b:s15+s14] =	stream.strided.scatter [tilespmem:s16], [sflag:$0x2], $0x4000, s10, s14, $0x20;
	[tilespmem:$0x10100] =	vst v63  }
.LBB1_8:
0x44: {  	_ =	sfence.sel $0x180000  }
0x45: {  	s2 =	simm.s32 $0x1;
	[bflag:$0x0] =	sbarrier.arrive $0xFFFF  }
0x46: {  	s31 =	simm.s32 $0x2;
	[sflag:s2] =	ssyncpa.u1 $0x1  }
0x47: {  	[sflag:s31] =	ssyncpa.u1 $0x1  }
0x48: {  	p0 =	sne.s32 s0, $0x0;
	_ =	strace $0x9000004A  }
0x49: {  	s0 =	sadd.s32 @!p0 $0x100000, s1;
	[bflag:$0x2] =	sbarrier.arrive $0xFFFF  }
0x4a: {  	[sflag:s0] =	ssyncadd.tile.s32 @!p0 $0x1;
	_ =	shalt  }
.Lfunc_end1:
_tile_overlayer_lowered:
.L_overlay_start_2:
0x4b: {  	(tag) =	ssettag $0x2  }
0x4c: {  	s0 =	rddreg [dreg:$0x0];
	s2 =	stileid.u32  }
0x4d: {  	s1 =	rddreg [dreg:$0x1];
	p0 =	sne.s32 s2, $0x0  }
0x4e: {  	s3 =	rddreg [dreg:$0x2];
	[bflag:$0x3] =	sbarrier.arrive $0xFFFF;
	s2 =	simm.s32 @!p0 $0x1C01  }
0x4f: {  	[timem:s3], [sflag:s2] =	dma.local @!p0 [hbm:s0], s1  }
0x50: {  	s0 =	simm.s32 @!p0 $0x1  }
0x51: {  	_ =	swait.ge @!p0 [sflag:s0], s1  }
0x52: {  	s1 =	ssub.s32 @!p0 $0x0, s1;
	[sflag:s0] =	ssyncset.done @!p0 $0x0  }
0x53: {  	[sflag:s0] =	ssyncadd.s32 @!p0 s1  }
0x54: {  	[bflag:$0x3] =	sbarrier.arrive $0xFFFF  }
0x55: {  	_ =	shalt  }

</sc_bundles>
